<compile_context>
chip_gen: v7x
topology: tpu7x:2x2x1
jax: 0.10.2.dev20260603
libtpu: 0.0.44.dev20260713+nightly
codegen_flags: <defaults>
</compile_context>

<pallas_src>
import jax
import jax.numpy as jnp
from jax import lax
from jax.experimental import pallas as pl
from jax.experimental.pallas import tpu as pltpu
from jax.experimental.pallas import tpu_sc as plsc

B = 4
T = 2048
H = 512
N = 256
NSPAN = B * N
OUT_D = 4 * H

NC = 2
NS = 16
NW = NC * NS
WPB = N // 32
SPW = NSPAN // NW
CH = 8
NCHUNK = SPW // CH
NPAIR = NCHUNK // 2
L = 16
G = H // L


def _body(x_hbm, ij_hbm, out_hbm, ij_v, idx_v, rows_v, out_v,
          sem_g0, sem_g1, sem_w0, sem_w1):
  sem_g = (sem_g0, sem_g1)
  sem_w = (sem_w0, sem_w1)
  wid = lax.axis_index("s") * NC + lax.axis_index("c")
  base = wid * SPW
  b_idx = wid // WPB
  row_base = b_idx * T

  cp_i = pltpu.async_copy(ij_hbm.at[0, pl.ds(base, SPW)], ij_v.at[0], sem_g0)
  cp_j = pltpu.async_copy(ij_hbm.at[1, pl.ds(base, SPW)], ij_v.at[1], sem_g0)
  cp_i.wait()
  cp_j.wait()

  zeros16 = jnp.zeros((L,), jnp.int32)
  ones16 = jnp.full((L,), 1, jnp.int32)

  def pair_ij(p):
    i16 = ij_v[0, pl.ds(p * L, L)]
    j16 = ij_v[1, pl.ds(p * L, L)]
    return i16, j16

  def prep(p):
    pb = (p % 2) * 64
    i16, j16 = pair_ij(p)
    idx_v[pl.ds(pb + 0 * L, L)] = j16 + row_base
    idx_v[pl.ds(pb + 1 * L, L)] = i16 + row_base
    idx_v[pl.ds(pb + 2 * L, L)] = jnp.maximum(i16 - 1, 0) + row_base
    idx_v[pl.ds(pb + 3 * L, L)] = jnp.minimum(j16 + 1, T - 1) + row_base

  def fire(p, half, rb):
    pb = (p % 2) * 64
    off = half * CH
    pltpu.async_copy(
        x_hbm.at[idx_v.at[pl.ds(pb + 0 * L + off, CH)], pl.ds(0, H)],
        rows_v.at[rb, pl.ds(0, CH)], sem_g[rb])
    pltpu.async_copy(
        x_hbm.at[idx_v.at[pl.ds(pb + 1 * L + off, CH)], pl.ds(H, H)],
        rows_v.at[rb, pl.ds(CH, CH)], sem_g[rb])
    pltpu.async_copy(
        x_hbm.at[idx_v.at[pl.ds(pb + 2 * L + off, CH)], pl.ds(0, H)],
        out_v.at[rb, :, pl.ds(2 * H, H)], sem_g[rb])
    pltpu.async_copy(
        x_hbm.at[idx_v.at[pl.ds(pb + 3 * L + off, CH)], pl.ds(H, H)],
        out_v.at[rb, :, pl.ds(3 * H, H)], sem_g[rb])

  def wait_gathers(rb):
    pltpu.make_async_copy(x_hbm.at[pl.ds(0, CH), pl.ds(0, H)],
                          rows_v.at[rb, pl.ds(0, CH)], sem_g[rb]).wait()
    pltpu.make_async_copy(x_hbm.at[pl.ds(0, CH), pl.ds(0, H)],
                          rows_v.at[rb, pl.ds(CH, CH)], sem_g[rb]).wait()
    pltpu.make_async_copy(x_hbm.at[pl.ds(0, CH), pl.ds(0, H)],
                          out_v.at[rb, :, pl.ds(2 * H, H)], sem_g[rb]).wait()
    pltpu.make_async_copy(x_hbm.at[pl.ds(0, CH), pl.ds(0, H)],
                          out_v.at[rb, :, pl.ds(3 * H, H)], sem_g[rb]).wait()

  def wait_write(rb):
    pltpu.make_async_copy(out_v.at[rb], out_hbm.at[pl.ds(0, CH)],
                          sem_w[rb]).wait()

  def fixup(p, half, rb):
    i16, j16 = pair_ij(p)
    need = jnp.where((i16 == 0) | (j16 >= T - 1), ones16, zeros16)
    any_need = lax.reduce_max(need, (0,))

    @pl.when(any_need > 0)
    def _():
      one = jnp.full((L,), 1.0, jnp.float32)
      zero = jnp.zeros((L,), jnp.float32)
      k16 = jnp.where((i16 != 0) | (j16 != 0), one, zero)
      a16 = jnp.where(i16 >= 1, k16, zero)
      c16 = jnp.where(j16 < T - 1, k16, zero)

      def span_fix(s, _):
        sidx = jnp.full((L,), half * CH, jnp.int32) + s
        kk = k16.at[sidx].get(mode="promise_in_bounds")
        aa = a16.at[sidx].get(mode="promise_in_bounds")
        cc = c16.at[sidx].get(mode="promise_in_bounds")

        def fx(g, _):
          off = g * L
          rows_v[rb, s, pl.ds(off, L)] = rows_v[rb, s, pl.ds(off, L)] * kk
          rows_v[rb, CH + s, pl.ds(off, L)] = (
              rows_v[rb, CH + s, pl.ds(off, L)] * kk)
          out_v[rb, s, pl.ds(2 * H + off, L)] = (
              out_v[rb, s, pl.ds(2 * H + off, L)] * aa)
          out_v[rb, s, pl.ds(3 * H + off, L)] = (
              out_v[rb, s, pl.ds(3 * H + off, L)] * cc)
          return 0

        lax.fori_loop(0, G, fx, 0, unroll=2)
        return 0

      lax.fori_loop(0, CH, span_fix, 0)

  def compute(rb):
    @plsc.parallel_loop(0, CH, 1)
    def span_body(s):
      @plsc.parallel_loop(0, G, 1, unroll=8)
      def grp_body(g):
        off = g * L
        fend = rows_v[rb, s, pl.ds(off, L)]
        bsta = rows_v[rb, CH + s, pl.ds(off, L)]
        fpre = out_v[rb, s, pl.ds(2 * H + off, L)]
        bpos = out_v[rb, s, pl.ds(3 * H + off, L)]
        out_v[rb, s, pl.ds(off, L)] = fend - fpre
        out_v[rb, s, pl.ds(H + off, L)] = bsta - bpos

  def write(c, rb):
    pltpu.async_copy(out_v.at[rb],
                     out_hbm.at[pl.ds(base + c * CH, CH)], sem_w[rb])

  prep(0)
  fire(0, 0, 0)

  def pair_body(p, _):
    @pl.when(p + 1 < NPAIR)
    def _():
      prep(p + 1)

    fire(p, 1, 1)

    @pl.when(p >= 1)
    def _():
      wait_write(0)

    wait_gathers(0)
    fixup(p, 0, 0)
    compute(0)
    write(2 * p, 0)

    @pl.when(p + 1 < NPAIR)
    def _():
      fire(p + 1, 0, 0)

    @pl.when(p >= 1)
    def _():
      wait_write(1)

    wait_gathers(1)
    fixup(p, 1, 1)
    compute(1)
    write(2 * p + 1, 1)
    return 0

  lax.fori_loop(0, NPAIR, pair_body, 0)
  wait_write(0)
  wait_write(1)


@jax.jit
def _launch(x2, span_idxs):
  mesh = plsc.VectorSubcoreMesh(core_axis_name="c", subcore_axis_name="s")
  return pl.kernel(
      _body,
      out_type=jax.ShapeDtypeStruct((NSPAN, OUT_D), jnp.float32),
      mesh=mesh,
      compiler_params=pltpu.CompilerParams(
          needs_layout_passes=False, allow_input_fusion=(False, True)),
      scratch_types=[
          pltpu.VMEM((2, SPW), jnp.int32),
          pltpu.VMEM((128,), jnp.int32),
          pltpu.VMEM((2, 2 * CH, H), jnp.float32),
          pltpu.VMEM((2, CH, OUT_D), jnp.float32),
          pltpu.SemaphoreType.DMA,
          pltpu.SemaphoreType.DMA,
          pltpu.SemaphoreType.DMA,
          pltpu.SemaphoreType.DMA,
      ],
  )(x2, span_idxs)


def kernel(input, span_idxs):
  x2 = input.reshape(B * T, 2 * H)
  ij = span_idxs.reshape(NSPAN, 2).astype(jnp.int32)
  ij2 = jnp.stack([ij[:, 0], ij[:, 1]])
  out = _launch(x2, ij2)
  return out.reshape(B, N, OUT_D)

# --- scband reference (transcript-rebuilt; emitter-appended) ---
"""Pipeline reference for scband-minus-span-15384572854730 (READ-ONLY COPY).

The authoritative reference and input builder live on the scoring server;
editing this copy changes nothing except your own understanding.
"""

import jax, jax.numpy as jnp
import numpy as np


def setup_inputs(seed: int = 0) -> dict:
    key = jax.random.key(seed)
    k1, k2 = jax.random.split(key)
    x = jax.random.normal(k1, (4, 2048, 1024), dtype=jnp.float32)
    # sorted along last axis so that i <= j for each span pair
    span_idxs = jnp.sort(jax.random.randint(k2, (4, 256, 2), 0, 2048), axis=-1)
    return {"input": x, "span_idxs": span_idxs}


def reference(input, span_idxs):
    # MinusSpan: input_size (init) = 1024, internal half = 512, output = 2048
    H = input.shape[-1] // 2
    T = input.shape[1]
    # dropout p=0.0 -> identity
    fwd = input[..., :H]
    bwd = input[..., H:]
    i = span_idxs[..., 0]  # [B, N]
    j = span_idxs[..., 1]  # [B, N]

    def gather(x, idx):
        # x: [B, T, H], idx: [B, N] -> [B, N, H]
        return jnp.take_along_axis(x, idx[:, :, None], axis=1)

    pre_idx = jnp.clip(i - 1, 0, T - 1)
    f_pre = jnp.where((i - 1 >= 0)[..., None], gather(fwd, pre_idx), 0.0)
    post_idx = jnp.clip(j + 1, 0, T - 1)
    b_post = jnp.where((j + 1 < T)[..., None], gather(bwd, post_idx), 0.0)
    f_end = gather(fwd, j)
    b_start = gather(bwd, i)
    out = jnp.concatenate([f_end - f_pre, b_start - b_post, f_pre, b_post], axis=-1)
    # rows where (i == 0 and j == 0) are skipped (left as zeros) in the torch loop
    keep = jnp.logical_not((i == 0) & (j == 0))[..., None]
    return out * keep.astype(out.dtype)

if __name__ == "__main__":
    import jax
    _d = setup_inputs()
    print(jax.jit(kernel)(*tuple(_d.values())))

</pallas_src>

<mosaic_0001>
#map = affine_map<(d0, d1) -> (0, 0)>
module attributes {stable_mosaic.version = 14 : i64} {
  func.func @_body(%arg0: i32, %arg1: i32, %arg2: memref<8192x1024xf32, #tpu.memory_space<hbm>>, %arg3: memref<2x1024xi32, #tpu.memory_space<hbm>>, %arg4: memref<1024x2048xf32, #tpu.memory_space<hbm>>, %arg5: memref<2x32xi32, #tpu.memory_space<vmem>>, %arg6: memref<128xi32, #tpu.memory_space<vmem>>, %arg7: memref<2x16x512xf32, #tpu.memory_space<vmem>>, %arg8: memref<2x8x2048xf32, #tpu.memory_space<vmem>>, %arg9: memref<!tpu.dma_semaphore, #tpu.memory_space<semaphore_mem>>, %arg10: memref<!tpu.dma_semaphore, #tpu.memory_space<semaphore_mem>>, %arg11: memref<!tpu.dma_semaphore, #tpu.memory_space<semaphore_mem>>, %arg12: memref<!tpu.dma_semaphore, #tpu.memory_space<semaphore_mem>>) attributes {dimension_semantics = [#tpu.dimension_semantics<core_parallel>, #tpu.dimension_semantics<subcore_parallel>], iteration_bounds = array<i64: 2, 16>, scalar_prefetch = 0 : i64, scratch_operands = 8 : i64, tpu.core_type = #tpu.core_type<sc_vector_subcore>, window_params = [{transform_indices = #map}, {transform_indices = #map}, {transform_indices = #map}]} {
    %mul3A = arith.constant 2 : i32
    %mul3A_0 = arith.muli %arg1, %mul3A : i32
    %add3A = arith.addi %mul3A_0, %arg0 : i32
    %mul3A_1 = arith.constant 32 : i32
    %mul3A_2 = arith.muli %add3A, %mul3A_1 : i32
    %jit3A = arith.constant 8 : i32
    %div3A = arith.divsi %add3A, %jit3A : i32
    %sign3A = arith.constant 0 : i32
    %sign3A_3 = arith.cmpi sgt, %add3A, %sign3A : i32
    %sign3A_4 = arith.extui %sign3A_3 : i1 to i32
    %sign3A_5 = arith.constant 0 : i32
    %sign3A_6 = arith.cmpi slt, %add3A, %sign3A_5 : i32
    %sign3A_7 = arith.extui %sign3A_6 : i1 to i32
    %sign3A_8 = arith.subi %sign3A_4, %sign3A_7 : i32
    %sign3A_9 = arith.constant 0 : i32
    %sign3A_10 = arith.cmpi sgt, %jit3A, %sign3A_9 : i32
    %sign3A_11 = arith.extui %sign3A_10 : i1 to i32
    %sign3A_12 = arith.constant 0 : i32
    %sign3A_13 = arith.cmpi slt, %jit3A, %sign3A_12 : i32
    %sign3A_14 = arith.extui %sign3A_13 : i1 to i32
    %sign3A_15 = arith.subi %sign3A_11, %sign3A_14 : i32
    %ne3A = arith.cmpi ne, %sign3A_8, %sign3A_15 : i32
    %rem3A = arith.remsi %add3A, %jit3A : i32
    %ne3A_16 = arith.constant 0 : i32
    %ne3A_17 = arith.cmpi ne, %rem3A, %ne3A_16 : i32
    %and3A = arith.andi %ne3A, %ne3A_17 : i1
    %sub3A = arith.constant 1 : i32
    %sub3A_18 = arith.subi %div3A, %sub3A : i32
    %select_n3A = arith.select %and3A, %sub3A_18, %div3A : i32
    %mul3A_19 = arith.constant 2048 : i32
    %mul3A_20 = arith.muli %select_n3A, %mul3A_19 : i32
    %dma_start3A = arith.constant 0 : i32
    %dma_start3A_21 = arith.constant 0 : i32
    %dma_start3A_22 = arith.constant 0 : i32
    %dma_start3A_23 = tpu.memref_slice %arg5[%dma_start3A_21, %dma_start3A_22] : memref<2x32xi32, #tpu.memory_space<vmem>> -> memref<1x32xi32, #tpu.memory_space<vmem>>
    %dma_start3A_24 = tpu.memref_squeeze %dma_start3A_23 : memref<1x32xi32, #tpu.memory_space<vmem>> -> memref<32xi32, #tpu.memory_space<vmem>>
    %dma_start3A_25 = tpu.memref_slice %arg3[%dma_start3A, %mul3A_2] : memref<2x1024xi32, #tpu.memory_space<hbm>> -> memref<1x32xi32, #tpu.memory_space<hbm>>
    %dma_start3A_26 = tpu.memref_squeeze %dma_start3A_25 : memref<1x32xi32, #tpu.memory_space<hbm>> -> memref<32xi32, #tpu.memory_space<hbm>>
    %dma_start3A_27 = arith.constant 0 : i32
    %dma_start3A_28 = tpu.memref_slice %arg5[%dma_start3A_21, %dma_start3A_27] : memref<2x32xi32, #tpu.memory_space<vmem>> -> memref<1x32xi32, #tpu.memory_space<vmem>>
    %dma_start3A_29 = tpu.memref_squeeze %dma_start3A_28 : memref<1x32xi32, #tpu.memory_space<vmem>> -> memref<32xi32, #tpu.memory_space<vmem>>
    %dma_start3A_30 = tpu.memref_slice %arg3[%dma_start3A, %mul3A_2] : memref<2x1024xi32, #tpu.memory_space<hbm>> -> memref<1x32xi32, #tpu.memory_space<hbm>>
    %dma_start3A_31 = tpu.memref_squeeze %dma_start3A_30 : memref<1x32xi32, #tpu.memory_space<hbm>> -> memref<32xi32, #tpu.memory_space<hbm>>
    tpu.enqueue_dma source(%dma_start3A_31 : memref<32xi32, #tpu.memory_space<hbm>>) target(%dma_start3A_29 : memref<32xi32, #tpu.memory_space<vmem>>) target_semaphore(%arg9 : memref<!tpu.dma_semaphore, #tpu.memory_space<semaphore_mem>>)
    %dma_start3A_32 = arith.constant 1 : i32
    %dma_start3A_33 = arith.constant 1 : i32
    %dma_start3A_34 = arith.constant 0 : i32
    %dma_start3A_35 = tpu.memref_slice %arg5[%dma_start3A_33, %dma_start3A_34] : memref<2x32xi32, #tpu.memory_space<vmem>> -> memref<1x32xi32, #tpu.memory_space<vmem>>
    %dma_start3A_36 = tpu.memref_squeeze %dma_start3A_35 : memref<1x32xi32, #tpu.memory_space<vmem>> -> memref<32xi32, #tpu.memory_space<vmem>>
    %dma_start3A_37 = tpu.memref_slice %arg3[%dma_start3A_32, %mul3A_2] : memref<2x1024xi32, #tpu.memory_space<hbm>> -> memref<1x32xi32, #tpu.memory_space<hbm>>
    %dma_start3A_38 = tpu.memref_squeeze %dma_start3A_37 : memref<1x32xi32, #tpu.memory_space<hbm>> -> memref<32xi32, #tpu.memory_space<hbm>>
    %dma_start3A_39 = arith.constant 0 : i32
    %dma_start3A_40 = tpu.memref_slice %arg5[%dma_start3A_33, %dma_start3A_39] : memref<2x32xi32, #tpu.memory_space<vmem>> -> memref<1x32xi32, #tpu.memory_space<vmem>>
    %dma_start3A_41 = tpu.memref_squeeze %dma_start3A_40 : memref<1x32xi32, #tpu.memory_space<vmem>> -> memref<32xi32, #tpu.memory_space<vmem>>
    %dma_start3A_42 = tpu.memref_slice %arg3[%dma_start3A_32, %mul3A_2] : memref<2x1024xi32, #tpu.memory_space<hbm>> -> memref<1x32xi32, #tpu.memory_space<hbm>>
    %dma_start3A_43 = tpu.memref_squeeze %dma_start3A_42 : memref<1x32xi32, #tpu.memory_space<hbm>> -> memref<32xi32, #tpu.memory_space<hbm>>
    tpu.enqueue_dma source(%dma_start3A_43 : memref<32xi32, #tpu.memory_space<hbm>>) target(%dma_start3A_41 : memref<32xi32, #tpu.memory_space<vmem>>) target_semaphore(%arg9 : memref<!tpu.dma_semaphore, #tpu.memory_space<semaphore_mem>>)
    %dma_wait3A = arith.constant 0 : i32
    %dma_wait3A_44 = arith.constant 0 : i32
    %dma_wait3A_45 = arith.constant 0 : i32
    %dma_wait3A_46 = tpu.memref_slice %arg5[%dma_wait3A_44, %dma_wait3A_45] : memref<2x32xi32, #tpu.memory_space<vmem>> -> memref<1x32xi32, #tpu.memory_space<vmem>>
    %dma_wait3A_47 = tpu.memref_squeeze %dma_wait3A_46 : memref<1x32xi32, #tpu.memory_space<vmem>> -> memref<32xi32, #tpu.memory_space<vmem>>
    %dma_wait3A_48 = tpu.memref_slice %arg3[%dma_wait3A, %mul3A_2] : memref<2x1024xi32, #tpu.memory_space<hbm>> -> memref<1x32xi32, #tpu.memory_space<hbm>>
    %dma_wait3A_49 = tpu.memref_squeeze %dma_wait3A_48 : memref<1x32xi32, #tpu.memory_space<hbm>> -> memref<32xi32, #tpu.memory_space<hbm>>
    %dma_wait3A_50 = arith.constant 0 : i32
    %dma_wait3A_51 = tpu.memref_slice %arg5[%dma_wait3A_44, %dma_wait3A_50] : memref<2x32xi32, #tpu.memory_space<vmem>> -> memref<1x32xi32, #tpu.memory_space<vmem>>
    %dma_wait3A_52 = tpu.memref_squeeze %dma_wait3A_51 : memref<1x32xi32, #tpu.memory_space<vmem>> -> memref<32xi32, #tpu.memory_space<vmem>>
    %dma_wait3A_53 = tpu.memref_slice %arg3[%dma_wait3A, %mul3A_2] : memref<2x1024xi32, #tpu.memory_space<hbm>> -> memref<1x32xi32, #tpu.memory_space<hbm>>
    %dma_wait3A_54 = tpu.memref_squeeze %dma_wait3A_53 : memref<1x32xi32, #tpu.memory_space<hbm>> -> memref<32xi32, #tpu.memory_space<hbm>>
    tpu.wait_dma2 semaphore(%arg9 : memref<!tpu.dma_semaphore, #tpu.memory_space<semaphore_mem>>) src(%dma_wait3A_54 : memref<32xi32, #tpu.memory_space<hbm>>) dst(%dma_wait3A_52 : memref<32xi32, #tpu.memory_space<vmem>>)
    %dma_wait3A_55 = arith.constant 1 : i32
    %dma_wait3A_56 = arith.constant 1 : i32
    %dma_wait3A_57 = arith.constant 0 : i32
    %dma_wait3A_58 = tpu.memref_slice %arg5[%dma_wait3A_56, %dma_wait3A_57] : memref<2x32xi32, #tpu.memory_space<vmem>> -> memref<1x32xi32, #tpu.memory_space<vmem>>
    %dma_wait3A_59 = tpu.memref_squeeze %dma_wait3A_58 : memref<1x32xi32, #tpu.memory_space<vmem>> -> memref<32xi32, #tpu.memory_space<vmem>>
    %dma_wait3A_60 = tpu.memref_slice %arg3[%dma_wait3A_55, %mul3A_2] : memref<2x1024xi32, #tpu.memory_space<hbm>> -> memref<1x32xi32, #tpu.memory_space<hbm>>
    %dma_wait3A_61 = tpu.memref_squeeze %dma_wait3A_60 : memref<1x32xi32, #tpu.memory_space<hbm>> -> memref<32xi32, #tpu.memory_space<hbm>>
    %dma_wait3A_62 = arith.constant 0 : i32
    %dma_wait3A_63 = tpu.memref_slice %arg5[%dma_wait3A_56, %dma_wait3A_62] : memref<2x32xi32, #tpu.memory_space<vmem>> -> memref<1x32xi32, #tpu.memory_space<vmem>>
    %dma_wait3A_64 = tpu.memref_squeeze %dma_wait3A_63 : memref<1x32xi32, #tpu.memory_space<vmem>> -> memref<32xi32, #tpu.memory_space<vmem>>
    %dma_wait3A_65 = tpu.memref_slice %arg3[%dma_wait3A_55, %mul3A_2] : memref<2x1024xi32, #tpu.memory_space<hbm>> -> memref<1x32xi32, #tpu.memory_space<hbm>>
    %dma_wait3A_66 = tpu.memref_squeeze %dma_wait3A_65 : memref<1x32xi32, #tpu.memory_space<hbm>> -> memref<32xi32, #tpu.memory_space<hbm>>
    tpu.wait_dma2 semaphore(%arg9 : memref<!tpu.dma_semaphore, #tpu.memory_space<semaphore_mem>>) src(%dma_wait3A_66 : memref<32xi32, #tpu.memory_space<hbm>>) dst(%dma_wait3A_64 : memref<32xi32, #tpu.memory_space<vmem>>)
    %broadcast_in_dim3A = arith.constant 0 : i32
    %broadcast_in_dim3A_67 = vector.broadcast %broadcast_in_dim3A : i32 to vector<16xi32>
    %broadcast_in_dim3A_68 = arith.constant 1 : i32
    %broadcast_in_dim3A_69 = vector.broadcast %broadcast_in_dim3A_68 : i32 to vector<16xi32>
    %get3A = arith.constant 0 : i32
    %get3A_70 = arith.index_cast %get3A : i32 to index
    %get3A_71 = arith.constant 0 : index
    %get3A_72 = tpu.vector_load %arg5[%get3A_70, %get3A_71] {strides = array<i32>} : memref<2x32xi32, #tpu.memory_space<vmem>>, vector<16xi32>,
    %get3A_73 = arith.constant 1 : i32
    %get3A_74 = arith.index_cast %get3A_73 : i32 to index
    %get3A_75 = arith.constant 0 : index
    %get3A_76 = tpu.vector_load %arg5[%get3A_74, %get3A_75] {strides = array<i32>} : memref<2x32xi32, #tpu.memory_space<vmem>>, vector<16xi32>,
    %add3A_77 = vector.broadcast %mul3A_20 : i32 to vector<16xi32>
    %add3A_78 = arith.addi %get3A_76, %add3A_77 : vector<16xi32>
    %swap3A = arith.constant 0 : index
    %swap3A_79 = tpu.vector_load %arg6[%swap3A] {strides = array<i32>} : memref<128xi32, #tpu.memory_space<vmem>>, vector<16xi32>,
    tpu.vector_store %arg6[%swap3A], %add3A_78 {strides = array<i32>} : memref<128xi32, #tpu.memory_space<vmem>>, vector<16xi32>,
    %add3A_80 = vector.broadcast %mul3A_20 : i32 to vector<16xi32>
    %add3A_81 = arith.addi %get3A_72, %add3A_80 : vector<16xi32>
    %swap3A_82 = arith.constant 16 : index
    %swap3A_83 = tpu.vector_load %arg6[%swap3A_82] {strides = array<i32>} : memref<128xi32, #tpu.memory_space<vmem>>, vector<16xi32>,
    tpu.vector_store %arg6[%swap3A_82], %add3A_81 {strides = array<i32>} : memref<128xi32, #tpu.memory_space<vmem>>, vector<16xi32>,
    %sub3A_84 = arith.constant 1 : i32
    %sub3A_85 = vector.broadcast %sub3A_84 : i32 to vector<16xi32>
    %sub3A_86 = arith.subi %get3A_72, %sub3A_85 : vector<16xi32>
    %max3A = arith.constant 0 : i32
    %max3A_87 = vector.broadcast %max3A : i32 to vector<16xi32>
    %max3A_88 = arith.maxsi %sub3A_86, %max3A_87 : vector<16xi32>
    %add3A_89 = vector.broadcast %mul3A_20 : i32 to vector<16xi32>
    %add3A_90 = arith.addi %max3A_88, %add3A_89 : vector<16xi32>
    %swap3A_91 = arith.constant 32 : index
    %swap3A_92 = tpu.vector_load %arg6[%swap3A_91] {strides = array<i32>} : memref<128xi32, #tpu.memory_space<vmem>>, vector<16xi32>,
    tpu.vector_store %arg6[%swap3A_91], %add3A_90 {strides = array<i32>} : memref<128xi32, #tpu.memory_space<vmem>>, vector<16xi32>,
    %add3A_93 = arith.constant 1 : i32
    %add3A_94 = vector.broadcast %add3A_93 : i32 to vector<16xi32>
    %add3A_95 = arith.addi %get3A_76, %add3A_94 : vector<16xi32>
    %min3A = arith.constant 2047 : i32
    %min3A_96 = vector.broadcast %min3A : i32 to vector<16xi32>
    %min3A_97 = arith.minsi %add3A_95, %min3A_96 : vector<16xi32>
    %add3A_98 = vector.broadcast %mul3A_20 : i32 to vector<16xi32>
    %add3A_99 = arith.addi %min3A_97, %add3A_98 : vector<16xi32>
    %swap3A_100 = arith.constant 48 : index
    %swap3A_101 = tpu.vector_load %arg6[%swap3A_100] {strides = array<i32>} : memref<128xi32, #tpu.memory_space<vmem>>, vector<16xi32>,
    tpu.vector_store %arg6[%swap3A_100], %add3A_99 {strides = array<i32>} : memref<128xi32, #tpu.memory_space<vmem>>, vector<16xi32>,
    %dma_start3A_102 = arith.constant 0 : i32
    %dma_start3A_103 = arith.constant 0 : i32
    %dma_start3A_104 = arith.constant 0 : i32
    %dma_start3A_105 = tpu.memref_slice %arg7[%dma_start3A_102, %dma_start3A_103, %dma_start3A_104] : memref<2x16x512xf32, #tpu.memory_space<vmem>> -> memref<1x8x512xf32, #tpu.memory_space<vmem>>
    %dma_start3A_106 = tpu.memref_squeeze %dma_start3A_105 : memref<1x8x512xf32, #tpu.memory_space<vmem>> -> memref<8x512xf32, #tpu.memory_space<vmem>>
    %dma_start3A_107 = arith.constant 0 : i32
    %dma_start3A_108 = tpu.memref_slice %arg6[%dma_start3A_107] : memref<128xi32, #tpu.memory_space<vmem>> -> memref<8xi32, #tpu.memory_space<vmem>>
    %dma_start3A_109 = arith.constant 0 : i32
    %dma_start3A_110 = arith.constant 0 : i32
    %dma_start3A_111 = tpu.memref_slice %arg2[%dma_start3A_109, %dma_start3A_110] : memref<8192x1024xf32, #tpu.memory_space<hbm>> -> memref<8192x512xf32, #tpu.memory_space<hbm>>
    tpu.enqueue_indirect_dma source(%dma_start3A_111 : memref<8192x512xf32, #tpu.memory_space<hbm>>) target(%dma_start3A_106 : memref<8x512xf32, #tpu.memory_space<vmem>>) offsets(%dma_start3A_108 : memref<8xi32, #tpu.memory_space<vmem>>) semaphore(%arg9 : memref<!tpu.dma_semaphore, #tpu.memory_space<semaphore_mem>>)
    %dma_start3A_112 = arith.constant 0 : i32
    %dma_start3A_113 = arith.constant 8 : i32
    %dma_start3A_114 = arith.constant 0 : i32
    %dma_start3A_115 = tpu.memref_slice %arg7[%dma_start3A_112, %dma_start3A_113, %dma_start3A_114] : memref<2x16x512xf32, #tpu.memory_space<vmem>> -> memref<1x8x512xf32, #tpu.memory_space<vmem>>
    %dma_start3A_116 = tpu.memref_squeeze %dma_start3A_115 : memref<1x8x512xf32, #tpu.memory_space<vmem>> -> memref<8x512xf32, #tpu.memory_space<vmem>>
    %dma_start3A_117 = arith.constant 16 : i32
    %dma_start3A_118 = tpu.memref_slice %arg6[%dma_start3A_117] : memref<128xi32, #tpu.memory_space<vmem>> -> memref<8xi32, #tpu.memory_space<vmem>>
    %dma_start3A_119 = arith.constant 0 : i32
    %dma_start3A_120 = arith.constant 512 : i32
    %dma_start3A_121 = tpu.memref_slice %arg2[%dma_start3A_119, %dma_start3A_120] : memref<8192x1024xf32, #tpu.memory_space<hbm>> -> memref<8192x512xf32, #tpu.memory_space<hbm>>
    tpu.enqueue_indirect_dma source(%dma_start3A_121 : memref<8192x512xf32, #tpu.memory_space<hbm>>) target(%dma_start3A_116 : memref<8x512xf32, #tpu.memory_space<vmem>>) offsets(%dma_start3A_118 : memref<8xi32, #tpu.memory_space<vmem>>) semaphore(%arg9 : memref<!tpu.dma_semaphore, #tpu.memory_space<semaphore_mem>>)
    %dma_start3A_122 = arith.constant 0 : i32
    %dma_start3A_123 = arith.constant 0 : i32
    %dma_start3A_124 = arith.constant 1024 : i32
    %dma_start3A_125 = tpu.memref_slice %arg8[%dma_start3A_122, %dma_start3A_123, %dma_start3A_124] : memref<2x8x2048xf32, #tpu.memory_space<vmem>> -> memref<1x8x512xf32, #tpu.memory_space<vmem>>
    %dma_start3A_126 = tpu.memref_squeeze %dma_start3A_125 : memref<1x8x512xf32, #tpu.memory_space<vmem>> -> memref<8x512xf32, #tpu.memory_space<vmem>>
    %dma_start3A_127 = arith.constant 32 : i32
    %dma_start3A_128 = tpu.memref_slice %arg6[%dma_start3A_127] : memref<128xi32, #tpu.memory_space<vmem>> -> memref<8xi32, #tpu.memory_space<vmem>>
    %dma_start3A_129 = arith.constant 0 : i32
    %dma_start3A_130 = arith.constant 0 : i32
    %dma_start3A_131 = tpu.memref_slice %arg2[%dma_start3A_129, %dma_start3A_130] : memref<8192x1024xf32, #tpu.memory_space<hbm>> -> memref<8192x512xf32, #tpu.memory_space<hbm>>
    tpu.enqueue_indirect_dma source(%dma_start3A_131 : memref<8192x512xf32, #tpu.memory_space<hbm>>) target(%dma_start3A_126 : memref<8x512xf32, #tpu.memory_space<vmem>>) offsets(%dma_start3A_128 : memref<8xi32, #tpu.memory_space<vmem>>) semaphore(%arg9 : memref<!tpu.dma_semaphore, #tpu.memory_space<semaphore_mem>>)
    %dma_start3A_132 = arith.constant 0 : i32
    %dma_start3A_133 = arith.constant 0 : i32
    %dma_start3A_134 = arith.constant 1536 : i32
    %dma_start3A_135 = tpu.memref_slice %arg8[%dma_start3A_132, %dma_start3A_133, %dma_start3A_134] : memref<2x8x2048xf32, #tpu.memory_space<vmem>> -> memref<1x8x512xf32, #tpu.memory_space<vmem>>
    %dma_start3A_136 = tpu.memref_squeeze %dma_start3A_135 : memref<1x8x512xf32, #tpu.memory_space<vmem>> -> memref<8x512xf32, #tpu.memory_space<vmem>>
    %dma_start3A_137 = arith.constant 48 : i32
    %dma_start3A_138 = tpu.memref_slice %arg6[%dma_start3A_137] : memref<128xi32, #tpu.memory_space<vmem>> -> memref<8xi32, #tpu.memory_space<vmem>>
    %dma_start3A_139 = arith.constant 0 : i32
    %dma_start3A_140 = arith.constant 512 : i32
    %dma_start3A_141 = tpu.memref_slice %arg2[%dma_start3A_139, %dma_start3A_140] : memref<8192x1024xf32, #tpu.memory_space<hbm>> -> memref<8192x512xf32, #tpu.memory_space<hbm>>
    tpu.enqueue_indirect_dma source(%dma_start3A_141 : memref<8192x512xf32, #tpu.memory_space<hbm>>) target(%dma_start3A_136 : memref<8x512xf32, #tpu.memory_space<vmem>>) offsets(%dma_start3A_138 : memref<8xi32, #tpu.memory_space<vmem>>) semaphore(%arg9 : memref<!tpu.dma_semaphore, #tpu.memory_space<semaphore_mem>>)
    %scan3A = arith.constant 0 : i32
    %scan3A_142 = arith.constant 0 : i32
    %scan3A_143 = arith.constant 2 : i32
    %scan3A_144 = arith.addi %scan3A_142, %scan3A_143 : i32
    %scan3A_145 = arith.constant 1 : i32
    %scan3A_146 = scf.for %scan3A_178 = %scan3A_142 to %scan3A_144 step %scan3A_145 iter_args(%scan3A_179 = %scan3A) -> (i32)  : i32 {
      %add3A_180 = arith.constant 1 : i32
      %add3A_181 = arith.addi %scan3A_178, %add3A_180 : i32
      %lt3A = arith.constant 2 : i32
      %lt3A_182 = arith.cmpi slt, %add3A_181, %lt3A : i32
      %convert_element_type3A = arith.extui %lt3A_182 : i1 to i32
      %cond3A = arith.constant 0 : i32
      %cond3A_183 = arith.cmpi ne, %convert_element_type3A, %cond3A : i32
      scf.if %cond3A_183 {
        %add3A_496 = arith.constant 1 : i32
        %add3A_497 = arith.addi %scan3A_178, %add3A_496 : i32
        %jit3A_498 = arith.constant 2 : i32
        %eq3A_499 = arith.constant 0 : i32
        %eq3A_500 = arith.cmpi eq, %jit3A_498, %eq3A_499 : i32
        %jit3A_501 = arith.constant 1 : i32
        %select_n3A_502 = arith.select %eq3A_500, %jit3A_501, %jit3A_498 : i32
        %rem3A_503 = arith.remsi %add3A_497, %select_n3A_502 : i32
        %ne3A_504 = arith.constant 0 : i32
        %ne3A_505 = arith.cmpi ne, %rem3A_503, %ne3A_504 : i32
        %lt3A_506 = arith.constant 0 : i32
        %lt3A_507 = arith.cmpi slt, %rem3A_503, %lt3A_506 : i32
        %lt3A_508 = arith.constant 0 : i32
        %lt3A_509 = arith.cmpi slt, %select_n3A_502, %lt3A_508 : i32
        %ne3A_510 = arith.xori %lt3A_507, %lt3A_509 : i1
        %and3A_511 = arith.andi %ne3A_510, %ne3A_505 : i1
        %add3A_512 = arith.addi %rem3A_503, %select_n3A_502 : i32
        %select_n3A_513 = arith.select %and3A_511, %add3A_512, %rem3A_503 : i32
        %mul3A_514 = arith.constant 64 : i32
        %mul3A_515 = arith.muli %select_n3A_513, %mul3A_514 : i32
        %mul3A_516 = arith.constant 16 : i32
        %mul3A_517 = arith.muli %add3A_497, %mul3A_516 : i32
        %get3A_518 = arith.constant 0 : i32
        %get3A_519 = arith.index_cast %get3A_518 : i32 to index
        %get3A_520 = arith.index_cast %mul3A_517 : i32 to index
        %get3A_521 = tpu.vector_load %arg5[%get3A_519, %get3A_520] {strides = array<i32>} : memref<2x32xi32, #tpu.memory_space<vmem>>, vector<16xi32>,
        %mul3A_522 = arith.constant 16 : i32
        %mul3A_523 = arith.muli %add3A_497, %mul3A_522 : i32
        %get3A_524 = arith.constant 1 : i32
        %get3A_525 = arith.index_cast %get3A_524 : i32 to index
        %get3A_526 = arith.index_cast %mul3A_523 : i32 to index
        %get3A_527 = tpu.vector_load %arg5[%get3A_525, %get3A_526] {strides = array<i32>} : memref<2x32xi32, #tpu.memory_space<vmem>>, vector<16xi32>,
        %add3A_528 = vector.broadcast %mul3A_20 : i32 to vector<16xi32>
        %add3A_529 = arith.addi %get3A_527, %add3A_528 : vector<16xi32>
        %add3A_530 = arith.constant 0 : i32
        %add3A_531 = arith.addi %mul3A_515, %add3A_530 : i32
        %swap3A_532 = arith.index_cast %add3A_531 : i32 to index
        %swap3A_533 = tpu.vector_load %arg6[%swap3A_532] {strides = array<i32>} : memref<128xi32, #tpu.memory_space<vmem>>, vector<16xi32>,
        tpu.vector_store %arg6[%swap3A_532], %add3A_529 {strides = array<i32>} : memref<128xi32, #tpu.memory_space<vmem>>, vector<16xi32>,
        %add3A_534 = vector.broadcast %mul3A_20 : i32 to vector<16xi32>
        %add3A_535 = arith.addi %get3A_521, %add3A_534 : vector<16xi32>
        %add3A_536 = arith.constant 16 : i32
        %add3A_537 = arith.addi %mul3A_515, %add3A_536 : i32
        %swap3A_538 = arith.index_cast %add3A_537 : i32 to index
        %swap3A_539 = tpu.vector_load %arg6[%swap3A_538] {strides = array<i32>} : memref<128xi32, #tpu.memory_space<vmem>>, vector<16xi32>,
        tpu.vector_store %arg6[%swap3A_538], %add3A_535 {strides = array<i32>} : memref<128xi32, #tpu.memory_space<vmem>>, vector<16xi32>,
        %sub3A_540 = arith.constant 1 : i32
        %sub3A_541 = vector.broadcast %sub3A_540 : i32 to vector<16xi32>
        %sub3A_542 = arith.subi %get3A_521, %sub3A_541 : vector<16xi32>
        %max3A_543 = arith.constant 0 : i32
        %max3A_544 = vector.broadcast %max3A_543 : i32 to vector<16xi32>
        %max3A_545 = arith.maxsi %sub3A_542, %max3A_544 : vector<16xi32>
        %add3A_546 = vector.broadcast %mul3A_20 : i32 to vector<16xi32>
        %add3A_547 = arith.addi %max3A_545, %add3A_546 : vector<16xi32>
        %add3A_548 = arith.constant 32 : i32
        %add3A_549 = arith.addi %mul3A_515, %add3A_548 : i32
        %swap3A_550 = arith.index_cast %add3A_549 : i32 to index
        %swap3A_551 = tpu.vector_load %arg6[%swap3A_550] {strides = array<i32>} : memref<128xi32, #tpu.memory_space<vmem>>, vector<16xi32>,
        tpu.vector_store %arg6[%swap3A_550], %add3A_547 {strides = array<i32>} : memref<128xi32, #tpu.memory_space<vmem>>, vector<16xi32>,
        %add3A_552 = arith.constant 1 : i32
        %add3A_553 = vector.broadcast %add3A_552 : i32 to vector<16xi32>
        %add3A_554 = arith.addi %get3A_527, %add3A_553 : vector<16xi32>
        %min3A_555 = arith.constant 2047 : i32
        %min3A_556 = vector.broadcast %min3A_555 : i32 to vector<16xi32>
        %min3A_557 = arith.minsi %add3A_554, %min3A_556 : vector<16xi32>
        %add3A_558 = vector.broadcast %mul3A_20 : i32 to vector<16xi32>
        %add3A_559 = arith.addi %min3A_557, %add3A_558 : vector<16xi32>
        %add3A_560 = arith.constant 48 : i32
        %add3A_561 = arith.addi %mul3A_515, %add3A_560 : i32
        %swap3A_562 = arith.index_cast %add3A_561 : i32 to index
        %swap3A_563 = tpu.vector_load %arg6[%swap3A_562] {strides = array<i32>} : memref<128xi32, #tpu.memory_space<vmem>>, vector<16xi32>,
        tpu.vector_store %arg6[%swap3A_562], %add3A_559 {strides = array<i32>} : memref<128xi32, #tpu.memory_space<vmem>>, vector<16xi32>,
      } else {
      }
      %jit3A_184 = arith.constant 2 : i32
      %eq3A = arith.constant 0 : i32
      %eq3A_185 = arith.cmpi eq, %jit3A_184, %eq3A : i32
      %jit3A_186 = arith.constant 1 : i32
      %select_n3A_187 = arith.select %eq3A_185, %jit3A_186, %jit3A_184 : i32
      %rem3A_188 = arith.remsi %scan3A_178, %select_n3A_187 : i32
      %ne3A_189 = arith.constant 0 : i32
      %ne3A_190 = arith.cmpi ne, %rem3A_188, %ne3A_189 : i32
      %lt3A_191 = arith.constant 0 : i32
      %lt3A_192 = arith.cmpi slt, %rem3A_188, %lt3A_191 : i32
      %lt3A_193 = arith.constant 0 : i32
      %lt3A_194 = arith.cmpi slt, %select_n3A_187, %lt3A_193 : i32
      %ne3A_195 = arith.xori %lt3A_192, %lt3A_194 : i1
      %and3A_196 = arith.andi %ne3A_195, %ne3A_190 : i1
      %add3A_197 = arith.addi %rem3A_188, %select_n3A_187 : i32
      %select_n3A_198 = arith.select %and3A_196, %add3A_197, %rem3A_188 : i32
      %mul3A_199 = arith.constant 64 : i32
      %mul3A_200 = arith.muli %select_n3A_198, %mul3A_199 : i32
      %add3A_201 = arith.constant 0 : i32
      %add3A_202 = arith.addi %mul3A_200, %add3A_201 : i32
      %add3A_203 = arith.constant 8 : i32
      %add3A_204 = arith.addi %add3A_202, %add3A_203 : i32
      %dma_start3A_205 = arith.constant 1 : i32
      %dma_start3A_206 = arith.constant 0 : i32
      %dma_start3A_207 = arith.constant 0 : i32
      %dma_start3A_208 = tpu.memref_slice %arg7[%dma_start3A_205, %dma_start3A_206, %dma_start3A_207] : memref<2x16x512xf32, #tpu.memory_space<vmem>> -> memref<1x8x512xf32, #tpu.memory_space<vmem>>
      %dma_start3A_209 = tpu.memref_squeeze %dma_start3A_208 : memref<1x8x512xf32, #tpu.memory_space<vmem>> -> memref<8x512xf32, #tpu.memory_space<vmem>>
      %dma_start3A_210 = tpu.memref_slice %arg6[%add3A_204] : memref<128xi32, #tpu.memory_space<vmem>> -> memref<8xi32, #tpu.memory_space<vmem>>
      %dma_start3A_211 = arith.constant 0 : i32
      %dma_start3A_212 = arith.constant 0 : i32
      %dma_start3A_213 = tpu.memref_slice %arg2[%dma_start3A_211, %dma_start3A_212] : memref<8192x1024xf32, #tpu.memory_space<hbm>> -> memref<8192x512xf32, #tpu.memory_space<hbm>>
      tpu.enqueue_indirect_dma source(%dma_start3A_213 : memref<8192x512xf32, #tpu.memory_space<hbm>>) target(%dma_start3A_209 : memref<8x512xf32, #tpu.memory_space<vmem>>) offsets(%dma_start3A_210 : memref<8xi32, #tpu.memory_space<vmem>>) semaphore(%arg10 : memref<!tpu.dma_semaphore, #tpu.memory_space<semaphore_mem>>)
      %add3A_214 = arith.constant 16 : i32
      %add3A_215 = arith.addi %mul3A_200, %add3A_214 : i32
      %add3A_216 = arith.constant 8 : i32
      %add3A_217 = arith.addi %add3A_215, %add3A_216 : i32
      %dma_start3A_218 = arith.constant 1 : i32
      %dma_start3A_219 = arith.constant 8 : i32
      %dma_start3A_220 = arith.constant 0 : i32
      %dma_start3A_221 = tpu.memref_slice %arg7[%dma_start3A_218, %dma_start3A_219, %dma_start3A_220] : memref<2x16x512xf32, #tpu.memory_space<vmem>> -> memref<1x8x512xf32, #tpu.memory_space<vmem>>
      %dma_start3A_222 = tpu.memref_squeeze %dma_start3A_221 : memref<1x8x512xf32, #tpu.memory_space<vmem>> -> memref<8x512xf32, #tpu.memory_space<vmem>>
      %dma_start3A_223 = tpu.memref_slice %arg6[%add3A_217] : memref<128xi32, #tpu.memory_space<vmem>> -> memref<8xi32, #tpu.memory_space<vmem>>
      %dma_start3A_224 = arith.constant 0 : i32
      %dma_start3A_225 = arith.constant 512 : i32
      %dma_start3A_226 = tpu.memref_slice %arg2[%dma_start3A_224, %dma_start3A_225] : memref<8192x1024xf32, #tpu.memory_space<hbm>> -> memref<8192x512xf32, #tpu.memory_space<hbm>>
      tpu.enqueue_indirect_dma source(%dma_start3A_226 : memref<8192x512xf32, #tpu.memory_space<hbm>>) target(%dma_start3A_222 : memref<8x512xf32, #tpu.memory_space<vmem>>) offsets(%dma_start3A_223 : memref<8xi32, #tpu.memory_space<vmem>>) semaphore(%arg10 : memref<!tpu.dma_semaphore, #tpu.memory_space<semaphore_mem>>)
      %add3A_227 = arith.constant 32 : i32
      %add3A_228 = arith.addi %mul3A_200, %add3A_227 : i32
      %add3A_229 = arith.constant 8 : i32
      %add3A_230 = arith.addi %add3A_228, %add3A_229 : i32
      %dma_start3A_231 = arith.constant 1 : i32
      %dma_start3A_232 = arith.constant 0 : i32
      %dma_start3A_233 = arith.constant 1024 : i32
      %dma_start3A_234 = tpu.memref_slice %arg8[%dma_start3A_231, %dma_start3A_232, %dma_start3A_233] : memref<2x8x2048xf32, #tpu.memory_space<vmem>> -> memref<1x8x512xf32, #tpu.memory_space<vmem>>
      %dma_start3A_235 = tpu.memref_squeeze %dma_start3A_234 : memref<1x8x512xf32, #tpu.memory_space<vmem>> -> memref<8x512xf32, #tpu.memory_space<vmem>>
      %dma_start3A_236 = tpu.memref_slice %arg6[%add3A_230] : memref<128xi32, #tpu.memory_space<vmem>> -> memref<8xi32, #tpu.memory_space<vmem>>
      %dma_start3A_237 = arith.constant 0 : i32
      %dma_start3A_238 = arith.constant 0 : i32
      %dma_start3A_239 = tpu.memref_slice %arg2[%dma_start3A_237, %dma_start3A_238] : memref<8192x1024xf32, #tpu.memory_space<hbm>> -> memref<8192x512xf32, #tpu.memory_space<hbm>>
      tpu.enqueue_indirect_dma source(%dma_start3A_239 : memref<8192x512xf32, #tpu.memory_space<hbm>>) target(%dma_start3A_235 : memref<8x512xf32, #tpu.memory_space<vmem>>) offsets(%dma_start3A_236 : memref<8xi32, #tpu.memory_space<vmem>>) semaphore(%arg10 : memref<!tpu.dma_semaphore, #tpu.memory_space<semaphore_mem>>)
      %add3A_240 = arith.constant 48 : i32
      %add3A_241 = arith.addi %mul3A_200, %add3A_240 : i32
      %add3A_242 = arith.constant 8 : i32
      %add3A_243 = arith.addi %add3A_241, %add3A_242 : i32
      %dma_start3A_244 = arith.constant 1 : i32
      %dma_start3A_245 = arith.constant 0 : i32
      %dma_start3A_246 = arith.constant 1536 : i32
      %dma_start3A_247 = tpu.memref_slice %arg8[%dma_start3A_244, %dma_start3A_245, %dma_start3A_246] : memref<2x8x2048xf32, #tpu.memory_space<vmem>> -> memref<1x8x512xf32, #tpu.memory_space<vmem>>
      %dma_start3A_248 = tpu.memref_squeeze %dma_start3A_247 : memref<1x8x512xf32, #tpu.memory_space<vmem>> -> memref<8x512xf32, #tpu.memory_space<vmem>>
      %dma_start3A_249 = tpu.memref_slice %arg6[%add3A_243] : memref<128xi32, #tpu.memory_space<vmem>> -> memref<8xi32, #tpu.memory_space<vmem>>
      %dma_start3A_250 = arith.constant 0 : i32
      %dma_start3A_251 = arith.constant 512 : i32
      %dma_start3A_252 = tpu.memref_slice %arg2[%dma_start3A_250, %dma_start3A_251] : memref<8192x1024xf32, #tpu.memory_space<hbm>> -> memref<8192x512xf32, #tpu.memory_space<hbm>>
      tpu.enqueue_indirect_dma source(%dma_start3A_252 : memref<8192x512xf32, #tpu.memory_space<hbm>>) target(%dma_start3A_248 : memref<8x512xf32, #tpu.memory_space<vmem>>) offsets(%dma_start3A_249 : memref<8xi32, #tpu.memory_space<vmem>>) semaphore(%arg10 : memref<!tpu.dma_semaphore, #tpu.memory_space<semaphore_mem>>)
      %ge3A = arith.constant 1 : i32
      %ge3A_253 = arith.cmpi sge, %scan3A_178, %ge3A : i32
      %convert_element_type3A_254 = arith.extui %ge3A_253 : i1 to i32
      %cond3A_255 = arith.constant 0 : i32
      %cond3A_256 = arith.cmpi ne, %convert_element_type3A_254, %cond3A_255 : i32
      scf.if %cond3A_256 {
        %dma_wait3A_496 = arith.constant 0 : i32
        %dma_wait3A_497 = arith.constant 0 : i32
        %dma_wait3A_498 = arith.constant 0 : i32
        %dma_wait3A_499 = tpu.memref_slice %arg8[%dma_wait3A_496, %dma_wait3A_497, %dma_wait3A_498] : memref<2x8x2048xf32, #tpu.memory_space<vmem>> -> memref<1x8x2048xf32, #tpu.memory_space<vmem>>
        %dma_wait3A_500 = tpu.memref_squeeze %dma_wait3A_499 : memref<1x8x2048xf32, #tpu.memory_space<vmem>> -> memref<8x2048xf32, #tpu.memory_space<vmem>>
        %dma_wait3A_501 = arith.constant 0 : i32
        %dma_wait3A_502 = arith.constant 0 : i32
        %dma_wait3A_503 = tpu.memref_slice %arg4[%dma_wait3A_501, %dma_wait3A_502] : memref<1024x2048xf32, #tpu.memory_space<hbm>> -> memref<8x2048xf32, #tpu.memory_space<hbm>>
        %dma_wait3A_504 = arith.constant 0 : i32
        %dma_wait3A_505 = arith.constant 0 : i32
        %dma_wait3A_506 = tpu.memref_slice %arg4[%dma_wait3A_504, %dma_wait3A_505] : memref<1024x2048xf32, #tpu.memory_space<hbm>> -> memref<8x2048xf32, #tpu.memory_space<hbm>>
        %dma_wait3A_507 = arith.constant 0 : i32
        %dma_wait3A_508 = arith.constant 0 : i32
        %dma_wait3A_509 = tpu.memref_slice %arg8[%dma_wait3A_496, %dma_wait3A_507, %dma_wait3A_508] : memref<2x8x2048xf32, #tpu.memory_space<vmem>> -> memref<1x8x2048xf32, #tpu.memory_space<vmem>>
        %dma_wait3A_510 = tpu.memref_squeeze %dma_wait3A_509 : memref<1x8x2048xf32, #tpu.memory_space<vmem>> -> memref<8x2048xf32, #tpu.memory_space<vmem>>
        tpu.wait_dma2 semaphore(%arg11 : memref<!tpu.dma_semaphore, #tpu.memory_space<semaphore_mem>>) src(%dma_wait3A_510 : memref<8x2048xf32, #tpu.memory_space<vmem>>) dst(%dma_wait3A_506 : memref<8x2048xf32, #tpu.memory_space<hbm>>)
      } else {
      }
      %dma_wait3A_257 = arith.constant 0 : i32
      %dma_wait3A_258 = arith.constant 0 : i32
      %dma_wait3A_259 = arith.constant 0 : i32
      %dma_wait3A_260 = tpu.memref_slice %arg7[%dma_wait3A_257, %dma_wait3A_258, %dma_wait3A_259] : memref<2x16x512xf32, #tpu.memory_space<vmem>> -> memref<1x8x512xf32, #tpu.memory_space<vmem>>
      %dma_wait3A_261 = tpu.memref_squeeze %dma_wait3A_260 : memref<1x8x512xf32, #tpu.memory_space<vmem>> -> memref<8x512xf32, #tpu.memory_space<vmem>>
      %dma_wait3A_262 = arith.constant 0 : i32
      %dma_wait3A_263 = arith.constant 0 : i32
      %dma_wait3A_264 = tpu.memref_slice %arg2[%dma_wait3A_262, %dma_wait3A_263] : memref<8192x1024xf32, #tpu.memory_space<hbm>> -> memref<8x512xf32, #tpu.memory_space<hbm>>
      %dma_wait3A_265 = arith.constant 0 : i32
      %dma_wait3A_266 = arith.constant 0 : i32
      %dma_wait3A_267 = tpu.memref_slice %arg7[%dma_wait3A_257, %dma_wait3A_265, %dma_wait3A_266] : memref<2x16x512xf32, #tpu.memory_space<vmem>> -> memref<1x8x512xf32, #tpu.memory_space<vmem>>
      %dma_wait3A_268 = tpu.memref_squeeze %dma_wait3A_267 : memref<1x8x512xf32, #tpu.memory_space<vmem>> -> memref<8x512xf32, #tpu.memory_space<vmem>>
      %dma_wait3A_269 = arith.constant 0 : i32
      %dma_wait3A_270 = arith.constant 0 : i32
      %dma_wait3A_271 = tpu.memref_slice %arg2[%dma_wait3A_269, %dma_wait3A_270] : memref<8192x1024xf32, #tpu.memory_space<hbm>> -> memref<8x512xf32, #tpu.memory_space<hbm>>
      tpu.wait_dma2 semaphore(%arg9 : memref<!tpu.dma_semaphore, #tpu.memory_space<semaphore_mem>>) src(%dma_wait3A_271 : memref<8x512xf32, #tpu.memory_space<hbm>>) dst(%dma_wait3A_268 : memref<8x512xf32, #tpu.memory_space<vmem>>)
      %dma_wait3A_272 = arith.constant 0 : i32
      %dma_wait3A_273 = arith.constant 8 : i32
      %dma_wait3A_274 = arith.constant 0 : i32
      %dma_wait3A_275 = tpu.memref_slice %arg7[%dma_wait3A_272, %dma_wait3A_273, %dma_wait3A_274] : memref<2x16x512xf32, #tpu.memory_space<vmem>> -> memref<1x8x512xf32, #tpu.memory_space<vmem>>
      %dma_wait3A_276 = tpu.memref_squeeze %dma_wait3A_275 : memref<1x8x512xf32, #tpu.memory_space<vmem>> -> memref<8x512xf32, #tpu.memory_space<vmem>>
      %dma_wait3A_277 = arith.constant 0 : i32
      %dma_wait3A_278 = arith.constant 0 : i32
      %dma_wait3A_279 = tpu.memref_slice %arg2[%dma_wait3A_277, %dma_wait3A_278] : memref<8192x1024xf32, #tpu.memory_space<hbm>> -> memref<8x512xf32, #tpu.memory_space<hbm>>
      %dma_wait3A_280 = arith.constant 8 : i32
      %dma_wait3A_281 = arith.constant 0 : i32
      %dma_wait3A_282 = tpu.memref_slice %arg7[%dma_wait3A_272, %dma_wait3A_280, %dma_wait3A_281] : memref<2x16x512xf32, #tpu.memory_space<vmem>> -> memref<1x8x512xf32, #tpu.memory_space<vmem>>
      %dma_wait3A_283 = tpu.memref_squeeze %dma_wait3A_282 : memref<1x8x512xf32, #tpu.memory_space<vmem>> -> memref<8x512xf32, #tpu.memory_space<vmem>>
      %dma_wait3A_284 = arith.constant 0 : i32
      %dma_wait3A_285 = arith.constant 0 : i32
      %dma_wait3A_286 = tpu.memref_slice %arg2[%dma_wait3A_284, %dma_wait3A_285] : memref<8192x1024xf32, #tpu.memory_space<hbm>> -> memref<8x512xf32, #tpu.memory_space<hbm>>
      tpu.wait_dma2 semaphore(%arg9 : memref<!tpu.dma_semaphore, #tpu.memory_space<semaphore_mem>>) src(%dma_wait3A_286 : memref<8x512xf32, #tpu.memory_space<hbm>>) dst(%dma_wait3A_283 : memref<8x512xf32, #tpu.memory_space<vmem>>)
      %dma_wait3A_287 = arith.constant 0 : i32
      %dma_wait3A_288 = arith.constant 0 : i32
      %dma_wait3A_289 = arith.constant 1024 : i32
      %dma_wait3A_290 = tpu.memref_slice %arg8[%dma_wait3A_287, %dma_wait3A_288, %dma_wait3A_289] : memref<2x8x2048xf32, #tpu.memory_space<vmem>> -> memref<1x8x512xf32, #tpu.memory_space<vmem>>
      %dma_wait3A_291 = tpu.memref_squeeze %dma_wait3A_290 : memref<1x8x512xf32, #tpu.memory_space<vmem>> -> memref<8x512xf32, #tpu.memory_space<vmem>>
      %dma_wait3A_292 = arith.constant 0 : i32
      %dma_wait3A_293 = arith.constant 0 : i32
      %dma_wait3A_294 = tpu.memref_slice %arg2[%dma_wait3A_292, %dma_wait3A_293] : memref<8192x1024xf32, #tpu.memory_space<hbm>> -> memref<8x512xf32, #tpu.memory_space<hbm>>
      %dma_wait3A_295 = arith.constant 0 : i32
      %dma_wait3A_296 = arith.constant 1024 : i32
      %dma_wait3A_297 = tpu.memref_slice %arg8[%dma_wait3A_287, %dma_wait3A_295, %dma_wait3A_296] : memref<2x8x2048xf32, #tpu.memory_space<vmem>> -> memref<1x8x512xf32, #tpu.memory_space<vmem>>
      %dma_wait3A_298 = tpu.memref_squeeze %dma_wait3A_297 : memref<1x8x512xf32, #tpu.memory_space<vmem>> -> memref<8x512xf32, #tpu.memory_space<vmem>>
      %dma_wait3A_299 = arith.constant 0 : i32
      %dma_wait3A_300 = arith.constant 0 : i32
      %dma_wait3A_301 = tpu.memref_slice %arg2[%dma_wait3A_299, %dma_wait3A_300] : memref<8192x1024xf32, #tpu.memory_space<hbm>> -> memref<8x512xf32, #tpu.memory_space<hbm>>
      tpu.wait_dma2 semaphore(%arg9 : memref<!tpu.dma_semaphore, #tpu.memory_space<semaphore_mem>>) src(%dma_wait3A_301 : memref<8x512xf32, #tpu.memory_space<hbm>>) dst(%dma_wait3A_298 : memref<8x512xf32, #tpu.memory_space<vmem>>)
      %dma_wait3A_302 = arith.constant 0 : i32
      %dma_wait3A_303 = arith.constant 0 : i32
      %dma_wait3A_304 = arith.constant 1536 : i32
      %dma_wait3A_305 = tpu.memref_slice %arg8[%dma_wait3A_302, %dma_wait3A_303, %dma_wait3A_304] : memref<2x8x2048xf32, #tpu.memory_space<vmem>> -> memref<1x8x512xf32, #tpu.memory_space<vmem>>
      %dma_wait3A_306 = tpu.memref_squeeze %dma_wait3A_305 : memref<1x8x512xf32, #tpu.memory_space<vmem>> -> memref<8x512xf32, #tpu.memory_space<vmem>>
      %dma_wait3A_307 = arith.constant 0 : i32
      %dma_wait3A_308 = arith.constant 0 : i32
      %dma_wait3A_309 = tpu.memref_slice %arg2[%dma_wait3A_307, %dma_wait3A_308] : memref<8192x1024xf32, #tpu.memory_space<hbm>> -> memref<8x512xf32, #tpu.memory_space<hbm>>
      %dma_wait3A_310 = arith.constant 0 : i32
      %dma_wait3A_311 = arith.constant 1536 : i32
      %dma_wait3A_312 = tpu.memref_slice %arg8[%dma_wait3A_302, %dma_wait3A_310, %dma_wait3A_311] : memref<2x8x2048xf32, #tpu.memory_space<vmem>> -> memref<1x8x512xf32, #tpu.memory_space<vmem>>
      %dma_wait3A_313 = tpu.memref_squeeze %dma_wait3A_312 : memref<1x8x512xf32, #tpu.memory_space<vmem>> -> memref<8x512xf32, #tpu.memory_space<vmem>>
      %dma_wait3A_314 = arith.constant 0 : i32
      %dma_wait3A_315 = arith.constant 0 : i32
      %dma_wait3A_316 = tpu.memref_slice %arg2[%dma_wait3A_314, %dma_wait3A_315] : memref<8192x1024xf32, #tpu.memory_space<hbm>> -> memref<8x512xf32, #tpu.memory_space<hbm>>
      tpu.wait_dma2 semaphore(%arg9 : memref<!tpu.dma_semaphore, #tpu.memory_space<semaphore_mem>>) src(%dma_wait3A_316 : memref<8x512xf32, #tpu.memory_space<hbm>>) dst(%dma_wait3A_313 : memref<8x512xf32, #tpu.memory_space<vmem>>)
      %mul3A_317 = arith.constant 16 : i32
      %mul3A_318 = arith.muli %scan3A_178, %mul3A_317 : i32
      %get3A_319 = arith.constant 0 : i32
      %get3A_320 = arith.index_cast %get3A_319 : i32 to index
      %get3A_321 = arith.index_cast %mul3A_318 : i32 to index
      %get3A_322 = tpu.vector_load %arg5[%get3A_320, %get3A_321] {strides = array<i32>} : memref<2x32xi32, #tpu.memory_space<vmem>>, vector<16xi32>,
      %mul3A_323 = arith.constant 16 : i32
      %mul3A_324 = arith.muli %scan3A_178, %mul3A_323 : i32
      %get3A_325 = arith.constant 1 : i32
      %get3A_326 = arith.index_cast %get3A_325 : i32 to index
      %get3A_327 = arith.index_cast %mul3A_324 : i32 to index
      %get3A_328 = tpu.vector_load %arg5[%get3A_326, %get3A_327] {strides = array<i32>} : memref<2x32xi32, #tpu.memory_space<vmem>>, vector<16xi32>,
      %eq3A_329 = arith.constant 0 : i32
      %eq3A_330 = vector.broadcast %eq3A_329 : i32 to vector<16xi32>
      %eq3A_331 = arith.cmpi eq, %get3A_322, %eq3A_330 : vector<16xi32>
      %ge3A_332 = arith.constant 2047 : i32
      %ge3A_333 = vector.broadcast %ge3A_332 : i32 to vector<16xi32>
      %ge3A_334 = arith.cmpi sge, %get3A_328, %ge3A_333 : vector<16xi32>
      %or3A = arith.ori %eq3A_331, %ge3A_334 : vector<16xi1>
      %select_n3A_335 = arith.select %or3A, %broadcast_in_dim3A_69, %broadcast_in_dim3A_67 : vector<16xi1>, vector<16xi32>
      %reduce_max3A = arith.constant true
      %reduce_max3A_336 = vector.broadcast %reduce_max3A : i1 to vector<16xi1>
      %reduce_max3A_337 = arith.constant -2147483648 : i32
      %reduce_max3A_338 = vector.broadcast %reduce_max3A_337 : i32 to vector<16xi32>
      %reduce_max3A_339 = arith.xori %select_n3A_335, %reduce_max3A_338 : vector<16xi32>
      %reduce_max3A_340 = tpu.scan <max>, %reduce_max3A_339 masked %reduce_max3A_336 : vector<16xi32>, vector<16xi1> -> vector<16xi32>
      %reduce_max3A_341 = arith.xori %reduce_max3A_340, %reduce_max3A_338 : vector<16xi32>
      %reduce_max3A_342 = vector.extract %reduce_max3A_341[15] : i32 from vector<16xi32>
      %gt3A = arith.constant 0 : i32
      %gt3A_343 = arith.cmpi sgt, %reduce_max3A_342, %gt3A : i32
      %convert_element_type3A_344 = arith.extui %gt3A_343 : i1 to i32
      %cond3A_345 = arith.constant 0 : i32
      %cond3A_346 = arith.cmpi ne, %convert_element_type3A_344, %cond3A_345 : i32
      scf.if %cond3A_346 {
        %broadcast_in_dim3A_496 = arith.constant 1.000000e+00 : f32
        %broadcast_in_dim3A_497 = vector.broadcast %broadcast_in_dim3A_496 : f32 to vector<16xf32>
        %broadcast_in_dim3A_498 = arith.constant 0.000000e+00 : f32
        %broadcast_in_dim3A_499 = vector.broadcast %broadcast_in_dim3A_498 : f32 to vector<16xf32>
        %ne3A_500 = arith.constant 0 : i32
        %ne3A_501 = vector.broadcast %ne3A_500 : i32 to vector<16xi32>
        %ne3A_502 = arith.cmpi ne, %get3A_322, %ne3A_501 : vector<16xi32>
        %ne3A_503 = arith.constant 0 : i32
        %ne3A_504 = vector.broadcast %ne3A_503 : i32 to vector<16xi32>
        %ne3A_505 = arith.cmpi ne, %get3A_328, %ne3A_504 : vector<16xi32>
        %or3A_506 = arith.ori %ne3A_502, %ne3A_505 : vector<16xi1>
        %select_n3A_507 = arith.select %or3A_506, %broadcast_in_dim3A_497, %broadcast_in_dim3A_499 : vector<16xi1>, vector<16xf32>
        %ge3A_508 = arith.constant 1 : i32
        %ge3A_509 = vector.broadcast %ge3A_508 : i32 to vector<16xi32>
        %ge3A_510 = arith.cmpi sge, %get3A_322, %ge3A_509 : vector<16xi32>
        %select_n3A_511 = arith.select %ge3A_510, %select_n3A_507, %broadcast_in_dim3A_499 : vector<16xi1>, vector<16xf32>
        %lt3A_512 = arith.constant 2047 : i32
        %lt3A_513 = vector.broadcast %lt3A_512 : i32 to vector<16xi32>
        %lt3A_514 = arith.cmpi slt, %get3A_328, %lt3A_513 : vector<16xi32>
        %select_n3A_515 = arith.select %lt3A_514, %select_n3A_507, %broadcast_in_dim3A_499 : vector<16xi1>, vector<16xf32>
        %scan3A_516 = arith.constant 0 : i32
        %scan3A_517 = arith.constant 0 : i32
        %scan3A_518 = arith.constant 8 : i32
        %scan3A_519 = arith.addi %scan3A_517, %scan3A_518 : i32
        %scan3A_520 = arith.constant 1 : i32
        %scan3A_521 = scf.for %scan3A_523 = %scan3A_517 to %scan3A_519 step %scan3A_520 iter_args(%scan3A_524 = %scan3A_516) -> (i32)  : i32 {
          %broadcast_in_dim3A_525 = arith.constant 0 : i32
          %broadcast_in_dim3A_526 = vector.broadcast %broadcast_in_dim3A_525 : i32 to vector<16xi32>
          %add3A_527 = vector.broadcast %scan3A_523 : i32 to vector<16xi32>
          %add3A_528 = arith.addi %broadcast_in_dim3A_526, %add3A_527 : vector<16xi32>
          %lt3A_529 = arith.constant 0 : i32
          %lt3A_530 = vector.broadcast %lt3A_529 : i32 to vector<16xi32>
          %lt3A_531 = arith.cmpi slt, %add3A_528, %lt3A_530 : vector<16xi32>
          %add3A_532 = arith.constant 16 : i32
          %add3A_533 = vector.broadcast %add3A_532 : i32 to vector<16xi32>
          %add3A_534 = arith.addi %add3A_528, %add3A_533 : vector<16xi32>
          %select_n3A_535 = arith.select %lt3A_531, %add3A_534, %add3A_528 : vector<16xi1>, vector<16xi32>
          %broadcast_in_dim3A_536 = vector.shape_cast %select_n3A_535 : vector<16xi32> to vector<16x1xi32>
          %gather3A = vector.shape_cast %broadcast_in_dim3A_536 : vector<16x1xi32> to vector<16xi32>
          %gather3A_537 = tpu.dynamic_gather %select_n3A_507[%gather3A] in [0] : vector<16xf32>, vector<16xi32> -> vector<16xf32>
          %lt3A_538 = arith.constant 0 : i32
          %lt3A_539 = vector.broadcast %lt3A_538 : i32 to vector<16xi32>
          %lt3A_540 = arith.cmpi slt, %add3A_528, %lt3A_539 : vector<16xi32>
          %add3A_541 = arith.constant 16 : i32
          %add3A_542 = vector.broadcast %add3A_541 : i32 to vector<16xi32>
          %add3A_543 = arith.addi %add3A_528, %add3A_542 : vector<16xi32>
          %select_n3A_544 = arith.select %lt3A_540, %add3A_543, %add3A_528 : vector<16xi1>, vector<16xi32>
          %broadcast_in_dim3A_545 = vector.shape_cast %select_n3A_544 : vector<16xi32> to vector<16x1xi32>
          %gather3A_546 = vector.shape_cast %broadcast_in_dim3A_545 : vector<16x1xi32> to vector<16xi32>
          %gather3A_547 = tpu.dynamic_gather %select_n3A_511[%gather3A_546] in [0] : vector<16xf32>, vector<16xi32> -> vector<16xf32>
          %lt3A_548 = arith.constant 0 : i32
          %lt3A_549 = vector.broadcast %lt3A_548 : i32 to vector<16xi32>
          %lt3A_550 = arith.cmpi slt, %add3A_528, %lt3A_549 : vector<16xi32>
          %add3A_551 = arith.constant 16 : i32
          %add3A_552 = vector.broadcast %add3A_551 : i32 to vector<16xi32>
          %add3A_553 = arith.addi %add3A_528, %add3A_552 : vector<16xi32>
          %select_n3A_554 = arith.select %lt3A_550, %add3A_553, %add3A_528 : vector<16xi1>, vector<16xi32>
          %broadcast_in_dim3A_555 = vector.shape_cast %select_n3A_554 : vector<16xi32> to vector<16x1xi32>
          %gather3A_556 = vector.shape_cast %broadcast_in_dim3A_555 : vector<16x1xi32> to vector<16xi32>
          %gather3A_557 = tpu.dynamic_gather %select_n3A_515[%gather3A_556] in [0] : vector<16xf32>, vector<16xi32> -> vector<16xf32>
          %scan3A_558 = arith.constant 0 : i32
          %scan3A_559 = arith.constant 0 : i32
          %scan3A_560 = arith.constant 32 : i32
          %scan3A_561 = arith.addi %scan3A_559, %scan3A_560 : i32
          %scan3A_562 = arith.constant 2 : i32
          %scan3A_563 = scf.for %scan3A_566 = %scan3A_559 to %scan3A_561 step %scan3A_562 iter_args(%scan3A_567 = %scan3A_558) -> (i32)  : i32 {
            %mul3A_568 = arith.constant 16 : i32
            %mul3A_569 = arith.muli %scan3A_566, %mul3A_568 : i32
            %get3A_570 = arith.constant 0 : i32
            %get3A_571 = arith.index_cast %get3A_570 : i32 to index
            %get3A_572 = arith.index_cast %scan3A_523 : i32 to index
            %get3A_573 = arith.index_cast %mul3A_569 : i32 to index
            %get3A_574 = tpu.vector_load %arg7[%get3A_571, %get3A_572, %get3A_573] {strides = array<i32>} : memref<2x16x512xf32, #tpu.memory_space<vmem>>, vector<16xf32>,
            %mul3A_575 = arith.mulf %get3A_574, %gather3A_537 : vector<16xf32>
            %swap3A_576 = arith.constant 0 : i32
            %swap3A_577 = arith.index_cast %swap3A_576 : i32 to index
            %swap3A_578 = arith.index_cast %scan3A_523 : i32 to index
            %swap3A_579 = arith.index_cast %mul3A_569 : i32 to index
            %swap3A_580 = tpu.vector_load %arg7[%swap3A_577, %swap3A_578, %swap3A_579] {strides = array<i32>} : memref<2x16x512xf32, #tpu.memory_space<vmem>>, vector<16xf32>,
            tpu.vector_store %arg7[%swap3A_577, %swap3A_578, %swap3A_579], %mul3A_575 {strides = array<i32>} : memref<2x16x512xf32, #tpu.memory_space<vmem>>, vector<16xf32>,
            %add3A_581 = arith.constant 8 : i32
            %add3A_582 = arith.addi %add3A_581, %scan3A_523 : i32
            %get3A_583 = arith.constant 0 : i32
            %get3A_584 = arith.index_cast %get3A_583 : i32 to index
            %get3A_585 = arith.index_cast %add3A_582 : i32 to index
            %get3A_586 = arith.index_cast %mul3A_569 : i32 to index
            %get3A_587 = tpu.vector_load %arg7[%get3A_584, %get3A_585, %get3A_586] {strides = array<i32>} : memref<2x16x512xf32, #tpu.memory_space<vmem>>, vector<16xf32>,
            %mul3A_588 = arith.mulf %get3A_587, %gather3A_537 : vector<16xf32>
            %add3A_589 = arith.constant 8 : i32
            %add3A_590 = arith.addi %add3A_589, %scan3A_523 : i32
            %swap3A_591 = arith.constant 0 : i32
            %swap3A_592 = arith.index_cast %swap3A_591 : i32 to index
            %swap3A_593 = arith.index_cast %add3A_590 : i32 to index
            %swap3A_594 = arith.index_cast %mul3A_569 : i32 to index
            %swap3A_595 = tpu.vector_load %arg7[%swap3A_592, %swap3A_593, %swap3A_594] {strides = array<i32>} : memref<2x16x512xf32, #tpu.memory_space<vmem>>, vector<16xf32>,
            tpu.vector_store %arg7[%swap3A_592, %swap3A_593, %swap3A_594], %mul3A_588 {strides = array<i32>} : memref<2x16x512xf32, #tpu.memory_space<vmem>>, vector<16xf32>,
            %add3A_596 = arith.constant 1024 : i32
            %add3A_597 = arith.addi %add3A_596, %mul3A_569 : i32
            %get3A_598 = arith.constant 0 : i32
            %get3A_599 = arith.index_cast %get3A_598 : i32 to index
            %get3A_600 = arith.index_cast %scan3A_523 : i32 to index
            %get3A_601 = arith.index_cast %add3A_597 : i32 to index
            %get3A_602 = tpu.vector_load %arg8[%get3A_599, %get3A_600, %get3A_601] {strides = array<i32>} : memref<2x8x2048xf32, #tpu.memory_space<vmem>>, vector<16xf32>,
            %mul3A_603 = arith.mulf %get3A_602, %gather3A_547 : vector<16xf32>
            %add3A_604 = arith.constant 1024 : i32
            %add3A_605 = arith.addi %add3A_604, %mul3A_569 : i32
            %swap3A_606 = arith.constant 0 : i32
            %swap3A_607 = arith.index_cast %swap3A_606 : i32 to index
            %swap3A_608 = arith.index_cast %scan3A_523 : i32 to index
            %swap3A_609 = arith.index_cast %add3A_605 : i32 to index
            %swap3A_610 = tpu.vector_load %arg8[%swap3A_607, %swap3A_608, %swap3A_609] {strides = array<i32>} : memref<2x8x2048xf32, #tpu.memory_space<vmem>>, vector<16xf32>,
            tpu.vector_store %arg8[%swap3A_607, %swap3A_608, %swap3A_609], %mul3A_603 {strides = array<i32>} : memref<2x8x2048xf32, #tpu.memory_space<vmem>>, vector<16xf32>,
            %add3A_611 = arith.constant 1536 : i32
            %add3A_612 = arith.addi %add3A_611, %mul3A_569 : i32
            %get3A_613 = arith.constant 0 : i32
            %get3A_614 = arith.index_cast %get3A_613 : i32 to index
            %get3A_615 = arith.index_cast %scan3A_523 : i32 to index
            %get3A_616 = arith.index_cast %add3A_612 : i32 to index
            %get3A_617 = tpu.vector_load %arg8[%get3A_614, %get3A_615, %get3A_616] {strides = array<i32>} : memref<2x8x2048xf32, #tpu.memory_space<vmem>>, vector<16xf32>,
            %mul3A_618 = arith.mulf %get3A_617, %gather3A_557 : vector<16xf32>
            %add3A_619 = arith.constant 1536 : i32
            %add3A_620 = arith.addi %add3A_619, %mul3A_569 : i32
            %swap3A_621 = arith.constant 0 : i32
            %swap3A_622 = arith.index_cast %swap3A_621 : i32 to index
            %swap3A_623 = arith.index_cast %scan3A_523 : i32 to index
            %swap3A_624 = arith.index_cast %add3A_620 : i32 to index
            %swap3A_625 = tpu.vector_load %arg8[%swap3A_622, %swap3A_623, %swap3A_624] {strides = array<i32>} : memref<2x8x2048xf32, #tpu.memory_space<vmem>>, vector<16xf32>,
            tpu.vector_store %arg8[%swap3A_622, %swap3A_623, %swap3A_624], %mul3A_618 {strides = array<i32>} : memref<2x8x2048xf32, #tpu.memory_space<vmem>>, vector<16xf32>,
            %scan3A_626 = arith.constant 0 : i32
            %scan3A_627 = arith.constant 1 : i32
            %scan3A_628 = arith.addi %scan3A_566, %scan3A_627 : i32
            %mul3A_629 = arith.constant 16 : i32
            %mul3A_630 = arith.muli %scan3A_628, %mul3A_629 : i32
            %get3A_631 = arith.constant 0 : i32
            %get3A_632 = arith.index_cast %get3A_631 : i32 to index
            %get3A_633 = arith.index_cast %scan3A_523 : i32 to index
            %get3A_634 = arith.index_cast %mul3A_630 : i32 to index
            %get3A_635 = tpu.vector_load %arg7[%get3A_632, %get3A_633, %get3A_634] {strides = array<i32>} : memref<2x16x512xf32, #tpu.memory_space<vmem>>, vector<16xf32>,
            %mul3A_636 = arith.mulf %get3A_635, %gather3A_537 : vector<16xf32>
            %swap3A_637 = arith.constant 0 : i32
            %swap3A_638 = arith.index_cast %swap3A_637 : i32 to index
            %swap3A_639 = arith.index_cast %scan3A_523 : i32 to index
            %swap3A_640 = arith.index_cast %mul3A_630 : i32 to index
            %swap3A_641 = tpu.vector_load %arg7[%swap3A_638, %swap3A_639, %swap3A_640] {strides = array<i32>} : memref<2x16x512xf32, #tpu.memory_space<vmem>>, vector<16xf32>,
            tpu.vector_store %arg7[%swap3A_638, %swap3A_639, %swap3A_640], %mul3A_636 {strides = array<i32>} : memref<2x16x512xf32, #tpu.memory_space<vmem>>, vector<16xf32>,
            %add3A_642 = arith.constant 8 : i32
            %add3A_643 = arith.addi %add3A_642, %scan3A_523 : i32
            %get3A_644 = arith.constant 0 : i32
            %get3A_645 = arith.index_cast %get3A_644 : i32 to index
            %get3A_646 = arith.index_cast %add3A_643 : i32 to index
            %get3A_647 = arith.index_cast %mul3A_630 : i32 to index
            %get3A_648 = tpu.vector_load %arg7[%get3A_645, %get3A_646, %get3A_647] {strides = array<i32>} : memref<2x16x512xf32, #tpu.memory_space<vmem>>, vector<16xf32>,
            %mul3A_649 = arith.mulf %get3A_648, %gather3A_537 : vector<16xf32>
            %add3A_650 = arith.constant 8 : i32
            %add3A_651 = arith.addi %add3A_650, %scan3A_523 : i32
            %swap3A_652 = arith.constant 0 : i32
            %swap3A_653 = arith.index_cast %swap3A_652 : i32 to index
            %swap3A_654 = arith.index_cast %add3A_651 : i32 to index
            %swap3A_655 = arith.index_cast %mul3A_630 : i32 to index
            %swap3A_656 = tpu.vector_load %arg7[%swap3A_653, %swap3A_654, %swap3A_655] {strides = array<i32>} : memref<2x16x512xf32, #tpu.memory_space<vmem>>, vector<16xf32>,
            tpu.vector_store %arg7[%swap3A_653, %swap3A_654, %swap3A_655], %mul3A_649 {strides = array<i32>} : memref<2x16x512xf32, #tpu.memory_space<vmem>>, vector<16xf32>,
            %add3A_657 = arith.constant 1024 : i32
            %add3A_658 = arith.addi %add3A_657, %mul3A_630 : i32
            %get3A_659 = arith.constant 0 : i32
            %get3A_660 = arith.index_cast %get3A_659 : i32 to index
            %get3A_661 = arith.index_cast %scan3A_523 : i32 to index
            %get3A_662 = arith.index_cast %add3A_658 : i32 to index
            %get3A_663 = tpu.vector_load %arg8[%get3A_660, %get3A_661, %get3A_662] {strides = array<i32>} : memref<2x8x2048xf32, #tpu.memory_space<vmem>>, vector<16xf32>,
            %mul3A_664 = arith.mulf %get3A_663, %gather3A_547 : vector<16xf32>
            %add3A_665 = arith.constant 1024 : i32
            %add3A_666 = arith.addi %add3A_665, %mul3A_630 : i32
            %swap3A_667 = arith.constant 0 : i32
            %swap3A_668 = arith.index_cast %swap3A_667 : i32 to index
            %swap3A_669 = arith.index_cast %scan3A_523 : i32 to index
            %swap3A_670 = arith.index_cast %add3A_666 : i32 to index
            %swap3A_671 = tpu.vector_load %arg8[%swap3A_668, %swap3A_669, %swap3A_670] {strides = array<i32>} : memref<2x8x2048xf32, #tpu.memory_space<vmem>>, vector<16xf32>,
            tpu.vector_store %arg8[%swap3A_668, %swap3A_669, %swap3A_670], %mul3A_664 {strides = array<i32>} : memref<2x8x2048xf32, #tpu.memory_space<vmem>>, vector<16xf32>,
            %add3A_672 = arith.constant 1536 : i32
            %add3A_673 = arith.addi %add3A_672, %mul3A_630 : i32
            %get3A_674 = arith.constant 0 : i32
            %get3A_675 = arith.index_cast %get3A_674 : i32 to index
            %get3A_676 = arith.index_cast %scan3A_523 : i32 to index
            %get3A_677 = arith.index_cast %add3A_673 : i32 to index
            %get3A_678 = tpu.vector_load %arg8[%get3A_675, %get3A_676, %get3A_677] {strides = array<i32>} : memref<2x8x2048xf32, #tpu.memory_space<vmem>>, vector<16xf32>,
            %mul3A_679 = arith.mulf %get3A_678, %gather3A_557 : vector<16xf32>
            %add3A_680 = arith.constant 1536 : i32
            %add3A_681 = arith.addi %add3A_680, %mul3A_630 : i32
            %swap3A_682 = arith.constant 0 : i32
            %swap3A_683 = arith.index_cast %swap3A_682 : i32 to index
            %swap3A_684 = arith.index_cast %scan3A_523 : i32 to index
            %swap3A_685 = arith.index_cast %add3A_681 : i32 to index
            %swap3A_686 = tpu.vector_load %arg8[%swap3A_683, %swap3A_684, %swap3A_685] {strides = array<i32>} : memref<2x8x2048xf32, #tpu.memory_space<vmem>>, vector<16xf32>,
            tpu.vector_store %arg8[%swap3A_683, %swap3A_684, %swap3A_685], %mul3A_679 {strides = array<i32>} : memref<2x8x2048xf32, #tpu.memory_space<vmem>>, vector<16xf32>,
            %scan3A_687 = arith.constant 0 : i32
            scf.yield %scan3A_687 : i32
          }
          %scan3A_564 = arith.constant 32 : i32
          %scan3A_565 = arith.constant 0 : i32
          scf.yield %scan3A_565 : i32
        }
        %scan3A_522 = arith.constant 8 : i32
      } else {
      }
      %parallel_loop3A = arith.constant 0 : i32
      %parallel_loop3A_347 = arith.constant 8 : i32
      %parallel_loop3A_348 = arith.constant 1 : i32
      scf.for %parallel_loop3A_496 = %parallel_loop3A to %parallel_loop3A_347 step %parallel_loop3A_348  : i32 {
        %parallel_loop3A_497 = arith.constant 0 : i32
        %parallel_loop3A_498 = arith.constant 32 : i32
        %parallel_loop3A_499 = arith.constant 1 : i32
        scf.for %parallel_loop3A_500 = %parallel_loop3A_497 to %parallel_loop3A_498 step %parallel_loop3A_499  : i32 {
          %parallel_loop3A_501 = arith.constant 16 : i32
          %parallel_loop3A_502 = arith.muli %parallel_loop3A_500, %parallel_loop3A_501 : i32
          %parallel_loop3A_503 = arith.constant 0 : i32
          %parallel_loop3A_504 = arith.index_cast %parallel_loop3A_503 : i32 to index
          %parallel_loop3A_505 = arith.index_cast %parallel_loop3A_496 : i32 to index
          %parallel_loop3A_506 = arith.index_cast %parallel_loop3A_502 : i32 to index
          %parallel_loop3A_507 = tpu.vector_load %arg7[%parallel_loop3A_504, %parallel_loop3A_505, %parallel_loop3A_506] {strides = array<i32>} : memref<2x16x512xf32, #tpu.memory_space<vmem>>, vector<16xf32>,
          %parallel_loop3A_508 = arith.constant 8 : i32
          %parallel_loop3A_509 = arith.addi %parallel_loop3A_508, %parallel_loop3A_496 : i32
          %parallel_loop3A_510 = arith.constant 0 : i32
          %parallel_loop3A_511 = arith.index_cast %parallel_loop3A_510 : i32 to index
          %parallel_loop3A_512 = arith.index_cast %parallel_loop3A_509 : i32 to index
          %parallel_loop3A_513 = arith.index_cast %parallel_loop3A_502 : i32 to index
          %parallel_loop3A_514 = tpu.vector_load %arg7[%parallel_loop3A_511, %parallel_loop3A_512, %parallel_loop3A_513] {strides = array<i32>} : memref<2x16x512xf32, #tpu.memory_space<vmem>>, vector<16xf32>,
          %parallel_loop3A_515 = arith.constant 1024 : i32
          %parallel_loop3A_516 = arith.addi %parallel_loop3A_515, %parallel_loop3A_502 : i32
          %parallel_loop3A_517 = arith.constant 0 : i32
          %parallel_loop3A_518 = arith.index_cast %parallel_loop3A_517 : i32 to index
          %parallel_loop3A_519 = arith.index_cast %parallel_loop3A_496 : i32 to index
          %parallel_loop3A_520 = arith.index_cast %parallel_loop3A_516 : i32 to index
          %parallel_loop3A_521 = tpu.vector_load %arg8[%parallel_loop3A_518, %parallel_loop3A_519, %parallel_loop3A_520] {strides = array<i32>} : memref<2x8x2048xf32, #tpu.memory_space<vmem>>, vector<16xf32>,
          %parallel_loop3A_522 = arith.constant 1536 : i32
          %parallel_loop3A_523 = arith.addi %parallel_loop3A_522, %parallel_loop3A_502 : i32
          %parallel_loop3A_524 = arith.constant 0 : i32
          %parallel_loop3A_525 = arith.index_cast %parallel_loop3A_524 : i32 to index
          %parallel_loop3A_526 = arith.index_cast %parallel_loop3A_496 : i32 to index
          %parallel_loop3A_527 = arith.index_cast %parallel_loop3A_523 : i32 to index
          %parallel_loop3A_528 = tpu.vector_load %arg8[%parallel_loop3A_525, %parallel_loop3A_526, %parallel_loop3A_527] {strides = array<i32>} : memref<2x8x2048xf32, #tpu.memory_space<vmem>>, vector<16xf32>,
          %parallel_loop3A_529 = arith.subf %parallel_loop3A_507, %parallel_loop3A_521 : vector<16xf32>
          %parallel_loop3A_530 = arith.constant 0 : i32
          %parallel_loop3A_531 = arith.index_cast %parallel_loop3A_530 : i32 to index
          %parallel_loop3A_532 = arith.index_cast %parallel_loop3A_496 : i32 to index
          %parallel_loop3A_533 = arith.index_cast %parallel_loop3A_502 : i32 to index
          %parallel_loop3A_534 = tpu.vector_load %arg8[%parallel_loop3A_531, %parallel_loop3A_532, %parallel_loop3A_533] {strides = array<i32>} : memref<2x8x2048xf32, #tpu.memory_space<vmem>>, vector<16xf32>,
          tpu.vector_store %arg8[%parallel_loop3A_531, %parallel_loop3A_532, %parallel_loop3A_533], %parallel_loop3A_529 {strides = array<i32>} : memref<2x8x2048xf32, #tpu.memory_space<vmem>>, vector<16xf32>,
          %parallel_loop3A_535 = arith.subf %parallel_loop3A_514, %parallel_loop3A_528 : vector<16xf32>
          %parallel_loop3A_536 = arith.constant 512 : i32
          %parallel_loop3A_537 = arith.addi %parallel_loop3A_536, %parallel_loop3A_502 : i32
          %parallel_loop3A_538 = arith.constant 0 : i32
          %parallel_loop3A_539 = arith.index_cast %parallel_loop3A_538 : i32 to index
          %parallel_loop3A_540 = arith.index_cast %parallel_loop3A_496 : i32 to index
          %parallel_loop3A_541 = arith.index_cast %parallel_loop3A_537 : i32 to index
          %parallel_loop3A_542 = tpu.vector_load %arg8[%parallel_loop3A_539, %parallel_loop3A_540, %parallel_loop3A_541] {strides = array<i32>} : memref<2x8x2048xf32, #tpu.memory_space<vmem>>, vector<16xf32>,
          tpu.vector_store %arg8[%parallel_loop3A_539, %parallel_loop3A_540, %parallel_loop3A_541], %parallel_loop3A_535 {strides = array<i32>} : memref<2x8x2048xf32, #tpu.memory_space<vmem>>, vector<16xf32>,
        } {sc.loop_unroll_factor = 8 : i64, sc.parallel_access}
      } {sc.loop_unroll_factor = 1 : i64, sc.parallel_access}
      %mul3A_349 = arith.constant 2 : i32
      %mul3A_350 = arith.muli %mul3A_349, %scan3A_178 : i32
      %mul3A_351 = arith.constant 8 : i32
      %mul3A_352 = arith.muli %mul3A_350, %mul3A_351 : i32
      %add3A_353 = arith.addi %mul3A_2, %mul3A_352 : i32
      %dma_start3A_354 = arith.constant 0 : i32
      %dma_start3A_355 = arith.constant 0 : i32
      %dma_start3A_356 = arith.constant 0 : i32
      %dma_start3A_357 = tpu.memref_slice %arg8[%dma_start3A_354, %dma_start3A_355, %dma_start3A_356] : memref<2x8x2048xf32, #tpu.memory_space<vmem>> -> memref<1x8x2048xf32, #tpu.memory_space<vmem>>
      %dma_start3A_358 = tpu.memref_squeeze %dma_start3A_357 : memref<1x8x2048xf32, #tpu.memory_space<vmem>> -> memref<8x2048xf32, #tpu.memory_space<vmem>>
      %dma_start3A_359 = arith.constant 0 : i32
      %dma_start3A_360 = tpu.memref_slice %arg4[%add3A_353, %dma_start3A_359] : memref<1024x2048xf32, #tpu.memory_space<hbm>> -> memref<8x2048xf32, #tpu.memory_space<hbm>>
      %dma_start3A_361 = arith.constant 0 : i32
      %dma_start3A_362 = tpu.memref_slice %arg4[%add3A_353, %dma_start3A_361] : memref<1024x2048xf32, #tpu.memory_space<hbm>> -> memref<8x2048xf32, #tpu.memory_space<hbm>>
      %dma_start3A_363 = arith.constant 0 : i32
      %dma_start3A_364 = arith.constant 0 : i32
      %dma_start3A_365 = tpu.memref_slice %arg8[%dma_start3A_354, %dma_start3A_363, %dma_start3A_364] : memref<2x8x2048xf32, #tpu.memory_space<vmem>> -> memref<1x8x2048xf32, #tpu.memory_space<vmem>>
      %dma_start3A_366 = tpu.memref_squeeze %dma_start3A_365 : memref<1x8x2048xf32, #tpu.memory_space<vmem>> -> memref<8x2048xf32, #tpu.memory_space<vmem>>
      tpu.enqueue_dma source(%dma_start3A_366 : memref<8x2048xf32, #tpu.memory_space<vmem>>) target(%dma_start3A_362 : memref<8x2048xf32, #tpu.memory_space<hbm>>) target_semaphore(%arg11 : memref<!tpu.dma_semaphore, #tpu.memory_space<semaphore_mem>>)
      %add3A_367 = arith.constant 1 : i32
      %add3A_368 = arith.addi %scan3A_178, %add3A_367 : i32
      %lt3A_369 = arith.constant 2 : i32
      %lt3A_370 = arith.cmpi slt, %add3A_368, %lt3A_369 : i32
      %convert_element_type3A_371 = arith.extui %lt3A_370 : i1 to i32
      %cond3A_372 = arith.constant 0 : i32
      %cond3A_373 = arith.cmpi ne, %convert_element_type3A_371, %cond3A_372 : i32
      scf.if %cond3A_373 {
        %add3A_496 = arith.constant 1 : i32
        %add3A_497 = arith.addi %scan3A_178, %add3A_496 : i32
        %jit3A_498 = arith.constant 2 : i32
        %eq3A_499 = arith.constant 0 : i32
        %eq3A_500 = arith.cmpi eq, %jit3A_498, %eq3A_499 : i32
        %jit3A_501 = arith.constant 1 : i32
        %select_n3A_502 = arith.select %eq3A_500, %jit3A_501, %jit3A_498 : i32
        %rem3A_503 = arith.remsi %add3A_497, %select_n3A_502 : i32
        %ne3A_504 = arith.constant 0 : i32
        %ne3A_505 = arith.cmpi ne, %rem3A_503, %ne3A_504 : i32
        %lt3A_506 = arith.constant 0 : i32
        %lt3A_507 = arith.cmpi slt, %rem3A_503, %lt3A_506 : i32
        %lt3A_508 = arith.constant 0 : i32
        %lt3A_509 = arith.cmpi slt, %select_n3A_502, %lt3A_508 : i32
        %ne3A_510 = arith.xori %lt3A_507, %lt3A_509 : i1
        %and3A_511 = arith.andi %ne3A_510, %ne3A_505 : i1
        %add3A_512 = arith.addi %rem3A_503, %select_n3A_502 : i32
        %select_n3A_513 = arith.select %and3A_511, %add3A_512, %rem3A_503 : i32
        %mul3A_514 = arith.constant 64 : i32
        %mul3A_515 = arith.muli %select_n3A_513, %mul3A_514 : i32
        %add3A_516 = arith.constant 0 : i32
        %add3A_517 = arith.addi %mul3A_515, %add3A_516 : i32
        %add3A_518 = arith.constant 0 : i32
        %add3A_519 = arith.addi %add3A_517, %add3A_518 : i32
        %dma_start3A_520 = arith.constant 0 : i32
        %dma_start3A_521 = arith.constant 0 : i32
        %dma_start3A_522 = arith.constant 0 : i32
        %dma_start3A_523 = tpu.memref_slice %arg7[%dma_start3A_520, %dma_start3A_521, %dma_start3A_522] : memref<2x16x512xf32, #tpu.memory_space<vmem>> -> memref<1x8x512xf32, #tpu.memory_space<vmem>>
        %dma_start3A_524 = tpu.memref_squeeze %dma_start3A_523 : memref<1x8x512xf32, #tpu.memory_space<vmem>> -> memref<8x512xf32, #tpu.memory_space<vmem>>
        %dma_start3A_525 = tpu.memref_slice %arg6[%add3A_519] : memref<128xi32, #tpu.memory_space<vmem>> -> memref<8xi32, #tpu.memory_space<vmem>>
        %dma_start3A_526 = arith.constant 0 : i32
        %dma_start3A_527 = arith.constant 0 : i32
        %dma_start3A_528 = tpu.memref_slice %arg2[%dma_start3A_526, %dma_start3A_527] : memref<8192x1024xf32, #tpu.memory_space<hbm>> -> memref<8192x512xf32, #tpu.memory_space<hbm>>
        tpu.enqueue_indirect_dma source(%dma_start3A_528 : memref<8192x512xf32, #tpu.memory_space<hbm>>) target(%dma_start3A_524 : memref<8x512xf32, #tpu.memory_space<vmem>>) offsets(%dma_start3A_525 : memref<8xi32, #tpu.memory_space<vmem>>) semaphore(%arg9 : memref<!tpu.dma_semaphore, #tpu.memory_space<semaphore_mem>>)
        %add3A_529 = arith.constant 16 : i32
        %add3A_530 = arith.addi %mul3A_515, %add3A_529 : i32
        %add3A_531 = arith.constant 0 : i32
        %add3A_532 = arith.addi %add3A_530, %add3A_531 : i32
        %dma_start3A_533 = arith.constant 0 : i32
        %dma_start3A_534 = arith.constant 8 : i32
        %dma_start3A_535 = arith.constant 0 : i32
        %dma_start3A_536 = tpu.memref_slice %arg7[%dma_start3A_533, %dma_start3A_534, %dma_start3A_535] : memref<2x16x512xf32, #tpu.memory_space<vmem>> -> memref<1x8x512xf32, #tpu.memory_space<vmem>>
        %dma_start3A_537 = tpu.memref_squeeze %dma_start3A_536 : memref<1x8x512xf32, #tpu.memory_space<vmem>> -> memref<8x512xf32, #tpu.memory_space<vmem>>
        %dma_start3A_538 = tpu.memref_slice %arg6[%add3A_532] : memref<128xi32, #tpu.memory_space<vmem>> -> memref<8xi32, #tpu.memory_space<vmem>>
        %dma_start3A_539 = arith.constant 0 : i32
        %dma_start3A_540 = arith.constant 512 : i32
        %dma_start3A_541 = tpu.memref_slice %arg2[%dma_start3A_539, %dma_start3A_540] : memref<8192x1024xf32, #tpu.memory_space<hbm>> -> memref<8192x512xf32, #tpu.memory_space<hbm>>
        tpu.enqueue_indirect_dma source(%dma_start3A_541 : memref<8192x512xf32, #tpu.memory_space<hbm>>) target(%dma_start3A_537 : memref<8x512xf32, #tpu.memory_space<vmem>>) offsets(%dma_start3A_538 : memref<8xi32, #tpu.memory_space<vmem>>) semaphore(%arg9 : memref<!tpu.dma_semaphore, #tpu.memory_space<semaphore_mem>>)
        %add3A_542 = arith.constant 32 : i32
        %add3A_543 = arith.addi %mul3A_515, %add3A_542 : i32
        %add3A_544 = arith.constant 0 : i32
        %add3A_545 = arith.addi %add3A_543, %add3A_544 : i32
        %dma_start3A_546 = arith.constant 0 : i32
        %dma_start3A_547 = arith.constant 0 : i32
        %dma_start3A_548 = arith.constant 1024 : i32
        %dma_start3A_549 = tpu.memref_slice %arg8[%dma_start3A_546, %dma_start3A_547, %dma_start3A_548] : memref<2x8x2048xf32, #tpu.memory_space<vmem>> -> memref<1x8x512xf32, #tpu.memory_space<vmem>>
        %dma_start3A_550 = tpu.memref_squeeze %dma_start3A_549 : memref<1x8x512xf32, #tpu.memory_space<vmem>> -> memref<8x512xf32, #tpu.memory_space<vmem>>
        %dma_start3A_551 = tpu.memref_slice %arg6[%add3A_545] : memref<128xi32, #tpu.memory_space<vmem>> -> memref<8xi32, #tpu.memory_space<vmem>>
        %dma_start3A_552 = arith.constant 0 : i32
        %dma_start3A_553 = arith.constant 0 : i32
        %dma_start3A_554 = tpu.memref_slice %arg2[%dma_start3A_552, %dma_start3A_553] : memref<8192x1024xf32, #tpu.memory_space<hbm>> -> memref<8192x512xf32, #tpu.memory_space<hbm>>
        tpu.enqueue_indirect_dma source(%dma_start3A_554 : memref<8192x512xf32, #tpu.memory_space<hbm>>) target(%dma_start3A_550 : memref<8x512xf32, #tpu.memory_space<vmem>>) offsets(%dma_start3A_551 : memref<8xi32, #tpu.memory_space<vmem>>) semaphore(%arg9 : memref<!tpu.dma_semaphore, #tpu.memory_space<semaphore_mem>>)
        %add3A_555 = arith.constant 48 : i32
        %add3A_556 = arith.addi %mul3A_515, %add3A_555 : i32
        %add3A_557 = arith.constant 0 : i32
        %add3A_558 = arith.addi %add3A_556, %add3A_557 : i32
        %dma_start3A_559 = arith.constant 0 : i32
        %dma_start3A_560 = arith.constant 0 : i32
        %dma_start3A_561 = arith.constant 1536 : i32
        %dma_start3A_562 = tpu.memref_slice %arg8[%dma_start3A_559, %dma_start3A_560, %dma_start3A_561] : memref<2x8x2048xf32, #tpu.memory_space<vmem>> -> memref<1x8x512xf32, #tpu.memory_space<vmem>>
        %dma_start3A_563 = tpu.memref_squeeze %dma_start3A_562 : memref<1x8x512xf32, #tpu.memory_space<vmem>> -> memref<8x512xf32, #tpu.memory_space<vmem>>
        %dma_start3A_564 = tpu.memref_slice %arg6[%add3A_558] : memref<128xi32, #tpu.memory_space<vmem>> -> memref<8xi32, #tpu.memory_space<vmem>>
        %dma_start3A_565 = arith.constant 0 : i32
        %dma_start3A_566 = arith.constant 512 : i32
        %dma_start3A_567 = tpu.memref_slice %arg2[%dma_start3A_565, %dma_start3A_566] : memref<8192x1024xf32, #tpu.memory_space<hbm>> -> memref<8192x512xf32, #tpu.memory_space<hbm>>
        tpu.enqueue_indirect_dma source(%dma_start3A_567 : memref<8192x512xf32, #tpu.memory_space<hbm>>) target(%dma_start3A_563 : memref<8x512xf32, #tpu.memory_space<vmem>>) offsets(%dma_start3A_564 : memref<8xi32, #tpu.memory_space<vmem>>) semaphore(%arg9 : memref<!tpu.dma_semaphore, #tpu.memory_space<semaphore_mem>>)
      } else {
      }
      %ge3A_374 = arith.constant 1 : i32
      %ge3A_375 = arith.cmpi sge, %scan3A_178, %ge3A_374 : i32
      %convert_element_type3A_376 = arith.extui %ge3A_375 : i1 to i32
      %cond3A_377 = arith.constant 0 : i32
      %cond3A_378 = arith.cmpi ne, %convert_element_type3A_376, %cond3A_377 : i32
      scf.if %cond3A_378 {
        %dma_wait3A_496 = arith.constant 1 : i32
        %dma_wait3A_497 = arith.constant 0 : i32
        %dma_wait3A_498 = arith.constant 0 : i32
        %dma_wait3A_499 = tpu.memref_slice %arg8[%dma_wait3A_496, %dma_wait3A_497, %dma_wait3A_498] : memref<2x8x2048xf32, #tpu.memory_space<vmem>> -> memref<1x8x2048xf32, #tpu.memory_space<vmem>>
        %dma_wait3A_500 = tpu.memref_squeeze %dma_wait3A_499 : memref<1x8x2048xf32, #tpu.memory_space<vmem>> -> memref<8x2048xf32, #tpu.memory_space<vmem>>
        %dma_wait3A_501 = arith.constant 0 : i32
        %dma_wait3A_502 = arith.constant 0 : i32
        %dma_wait3A_503 = tpu.memref_slice %arg4[%dma_wait3A_501, %dma_wait3A_502] : memref<1024x2048xf32, #tpu.memory_space<hbm>> -> memref<8x2048xf32, #tpu.memory_space<hbm>>
        %dma_wait3A_504 = arith.constant 0 : i32
        %dma_wait3A_505 = arith.constant 0 : i32
        %dma_wait3A_506 = tpu.memref_slice %arg4[%dma_wait3A_504, %dma_wait3A_505] : memref<1024x2048xf32, #tpu.memory_space<hbm>> -> memref<8x2048xf32, #tpu.memory_space<hbm>>
        %dma_wait3A_507 = arith.constant 0 : i32
        %dma_wait3A_508 = arith.constant 0 : i32
        %dma_wait3A_509 = tpu.memref_slice %arg8[%dma_wait3A_496, %dma_wait3A_507, %dma_wait3A_508] : memref<2x8x2048xf32, #tpu.memory_space<vmem>> -> memref<1x8x2048xf32, #tpu.memory_space<vmem>>
        %dma_wait3A_510 = tpu.memref_squeeze %dma_wait3A_509 : memref<1x8x2048xf32, #tpu.memory_space<vmem>> -> memref<8x2048xf32, #tpu.memory_space<vmem>>
        tpu.wait_dma2 semaphore(%arg12 : memref<!tpu.dma_semaphore, #tpu.memory_space<semaphore_mem>>) src(%dma_wait3A_510 : memref<8x2048xf32, #tpu.memory_space<vmem>>) dst(%dma_wait3A_506 : memref<8x2048xf32, #tpu.memory_space<hbm>>)
      } else {
      }
      %dma_wait3A_379 = arith.constant 1 : i32
      %dma_wait3A_380 = arith.constant 0 : i32
      %dma_wait3A_381 = arith.constant 0 : i32
      %dma_wait3A_382 = tpu.memref_slice %arg7[%dma_wait3A_379, %dma_wait3A_380, %dma_wait3A_381] : memref<2x16x512xf32, #tpu.memory_space<vmem>> -> memref<1x8x512xf32, #tpu.memory_space<vmem>>
      %dma_wait3A_383 = tpu.memref_squeeze %dma_wait3A_382 : memref<1x8x512xf32, #tpu.memory_space<vmem>> -> memref<8x512xf32, #tpu.memory_space<vmem>>
      %dma_wait3A_384 = arith.constant 0 : i32
      %dma_wait3A_385 = arith.constant 0 : i32
      %dma_wait3A_386 = tpu.memref_slice %arg2[%dma_wait3A_384, %dma_wait3A_385] : memref<8192x1024xf32, #tpu.memory_space<hbm>> -> memref<8x512xf32, #tpu.memory_space<hbm>>
      %dma_wait3A_387 = arith.constant 0 : i32
      %dma_wait3A_388 = arith.constant 0 : i32
      %dma_wait3A_389 = tpu.memref_slice %arg7[%dma_wait3A_379, %dma_wait3A_387, %dma_wait3A_388] : memref<2x16x512xf32, #tpu.memory_space<vmem>> -> memref<1x8x512xf32, #tpu.memory_space<vmem>>
      %dma_wait3A_390 = tpu.memref_squeeze %dma_wait3A_389 : memref<1x8x512xf32, #tpu.memory_space<vmem>> -> memref<8x512xf32, #tpu.memory_space<vmem>>
      %dma_wait3A_391 = arith.constant 0 : i32
      %dma_wait3A_392 = arith.constant 0 : i32
      %dma_wait3A_393 = tpu.memref_slice %arg2[%dma_wait3A_391, %dma_wait3A_392] : memref<8192x1024xf32, #tpu.memory_space<hbm>> -> memref<8x512xf32, #tpu.memory_space<hbm>>
      tpu.wait_dma2 semaphore(%arg10 : memref<!tpu.dma_semaphore, #tpu.memory_space<semaphore_mem>>) src(%dma_wait3A_393 : memref<8x512xf32, #tpu.memory_space<hbm>>) dst(%dma_wait3A_390 : memref<8x512xf32, #tpu.memory_space<vmem>>)
      %dma_wait3A_394 = arith.constant 1 : i32
      %dma_wait3A_395 = arith.constant 8 : i32
      %dma_wait3A_396 = arith.constant 0 : i32
      %dma_wait3A_397 = tpu.memref_slice %arg7[%dma_wait3A_394, %dma_wait3A_395, %dma_wait3A_396] : memref<2x16x512xf32, #tpu.memory_space<vmem>> -> memref<1x8x512xf32, #tpu.memory_space<vmem>>
      %dma_wait3A_398 = tpu.memref_squeeze %dma_wait3A_397 : memref<1x8x512xf32, #tpu.memory_space<vmem>> -> memref<8x512xf32, #tpu.memory_space<vmem>>
      %dma_wait3A_399 = arith.constant 0 : i32
      %dma_wait3A_400 = arith.constant 0 : i32
      %dma_wait3A_401 = tpu.memref_slice %arg2[%dma_wait3A_399, %dma_wait3A_400] : memref<8192x1024xf32, #tpu.memory_space<hbm>> -> memref<8x512xf32, #tpu.memory_space<hbm>>
      %dma_wait3A_402 = arith.constant 8 : i32
      %dma_wait3A_403 = arith.constant 0 : i32
      %dma_wait3A_404 = tpu.memref_slice %arg7[%dma_wait3A_394, %dma_wait3A_402, %dma_wait3A_403] : memref<2x16x512xf32, #tpu.memory_space<vmem>> -> memref<1x8x512xf32, #tpu.memory_space<vmem>>
      %dma_wait3A_405 = tpu.memref_squeeze %dma_wait3A_404 : memref<1x8x512xf32, #tpu.memory_space<vmem>> -> memref<8x512xf32, #tpu.memory_space<vmem>>
      %dma_wait3A_406 = arith.constant 0 : i32
      %dma_wait3A_407 = arith.constant 0 : i32
      %dma_wait3A_408 = tpu.memref_slice %arg2[%dma_wait3A_406, %dma_wait3A_407] : memref<8192x1024xf32, #tpu.memory_space<hbm>> -> memref<8x512xf32, #tpu.memory_space<hbm>>
      tpu.wait_dma2 semaphore(%arg10 : memref<!tpu.dma_semaphore, #tpu.memory_space<semaphore_mem>>) src(%dma_wait3A_408 : memref<8x512xf32, #tpu.memory_space<hbm>>) dst(%dma_wait3A_405 : memref<8x512xf32, #tpu.memory_space<vmem>>)
      %dma_wait3A_409 = arith.constant 1 : i32
      %dma_wait3A_410 = arith.constant 0 : i32
      %dma_wait3A_411 = arith.constant 1024 : i32
      %dma_wait3A_412 = tpu.memref_slice %arg8[%dma_wait3A_409, %dma_wait3A_410, %dma_wait3A_411] : memref<2x8x2048xf32, #tpu.memory_space<vmem>> -> memref<1x8x512xf32, #tpu.memory_space<vmem>>
      %dma_wait3A_413 = tpu.memref_squeeze %dma_wait3A_412 : memref<1x8x512xf32, #tpu.memory_space<vmem>> -> memref<8x512xf32, #tpu.memory_space<vmem>>
      %dma_wait3A_414 = arith.constant 0 : i32
      %dma_wait3A_415 = arith.constant 0 : i32
      %dma_wait3A_416 = tpu.memref_slice %arg2[%dma_wait3A_414, %dma_wait3A_415] : memref<8192x1024xf32, #tpu.memory_space<hbm>> -> memref<8x512xf32, #tpu.memory_space<hbm>>
      %dma_wait3A_417 = arith.constant 0 : i32
      %dma_wait3A_418 = arith.constant 1024 : i32
      %dma_wait3A_419 = tpu.memref_slice %arg8[%dma_wait3A_409, %dma_wait3A_417, %dma_wait3A_418] : memref<2x8x2048xf32, #tpu.memory_space<vmem>> -> memref<1x8x512xf32, #tpu.memory_space<vmem>>
      %dma_wait3A_420 = tpu.memref_squeeze %dma_wait3A_419 : memref<1x8x512xf32, #tpu.memory_space<vmem>> -> memref<8x512xf32, #tpu.memory_space<vmem>>
      %dma_wait3A_421 = arith.constant 0 : i32
      %dma_wait3A_422 = arith.constant 0 : i32
      %dma_wait3A_423 = tpu.memref_slice %arg2[%dma_wait3A_421, %dma_wait3A_422] : memref<8192x1024xf32, #tpu.memory_space<hbm>> -> memref<8x512xf32, #tpu.memory_space<hbm>>
      tpu.wait_dma2 semaphore(%arg10 : memref<!tpu.dma_semaphore, #tpu.memory_space<semaphore_mem>>) src(%dma_wait3A_423 : memref<8x512xf32, #tpu.memory_space<hbm>>) dst(%dma_wait3A_420 : memref<8x512xf32, #tpu.memory_space<vmem>>)
      %dma_wait3A_424 = arith.constant 1 : i32
      %dma_wait3A_425 = arith.constant 0 : i32
      %dma_wait3A_426 = arith.constant 1536 : i32
      %dma_wait3A_427 = tpu.memref_slice %arg8[%dma_wait3A_424, %dma_wait3A_425, %dma_wait3A_426] : memref<2x8x2048xf32, #tpu.memory_space<vmem>> -> memref<1x8x512xf32, #tpu.memory_space<vmem>>
      %dma_wait3A_428 = tpu.memref_squeeze %dma_wait3A_427 : memref<1x8x512xf32, #tpu.memory_space<vmem>> -> memref<8x512xf32, #tpu.memory_space<vmem>>
      %dma_wait3A_429 = arith.constant 0 : i32
      %dma_wait3A_430 = arith.constant 0 : i32
      %dma_wait3A_431 = tpu.memref_slice %arg2[%dma_wait3A_429, %dma_wait3A_430] : memref<8192x1024xf32, #tpu.memory_space<hbm>> -> memref<8x512xf32, #tpu.memory_space<hbm>>
      %dma_wait3A_432 = arith.constant 0 : i32
      %dma_wait3A_433 = arith.constant 1536 : i32
      %dma_wait3A_434 = tpu.memref_slice %arg8[%dma_wait3A_424, %dma_wait3A_432, %dma_wait3A_433] : memref<2x8x2048xf32, #tpu.memory_space<vmem>> -> memref<1x8x512xf32, #tpu.memory_space<vmem>>
      %dma_wait3A_435 = tpu.memref_squeeze %dma_wait3A_434 : memref<1x8x512xf32, #tpu.memory_space<vmem>> -> memref<8x512xf32, #tpu.memory_space<vmem>>
      %dma_wait3A_436 = arith.constant 0 : i32
      %dma_wait3A_437 = arith.constant 0 : i32
      %dma_wait3A_438 = tpu.memref_slice %arg2[%dma_wait3A_436, %dma_wait3A_437] : memref<8192x1024xf32, #tpu.memory_space<hbm>> -> memref<8x512xf32, #tpu.memory_space<hbm>>
      tpu.wait_dma2 semaphore(%arg10 : memref<!tpu.dma_semaphore, #tpu.memory_space<semaphore_mem>>) src(%dma_wait3A_438 : memref<8x512xf32, #tpu.memory_space<hbm>>) dst(%dma_wait3A_435 : memref<8x512xf32, #tpu.memory_space<vmem>>)
      %mul3A_439 = arith.constant 16 : i32
      %mul3A_440 = arith.muli %scan3A_178, %mul3A_439 : i32
      %get3A_441 = arith.constant 0 : i32
      %get3A_442 = arith.index_cast %get3A_441 : i32 to index
      %get3A_443 = arith.index_cast %mul3A_440 : i32 to index
      %get3A_444 = tpu.vector_load %arg5[%get3A_442, %get3A_443] {strides = array<i32>} : memref<2x32xi32, #tpu.memory_space<vmem>>, vector<16xi32>,
      %mul3A_445 = arith.constant 16 : i32
      %mul3A_446 = arith.muli %scan3A_178, %mul3A_445 : i32
      %get3A_447 = arith.constant 1 : i32
      %get3A_448 = arith.index_cast %get3A_447 : i32 to index
      %get3A_449 = arith.index_cast %mul3A_446 : i32 to index
      %get3A_450 = tpu.vector_load %arg5[%get3A_448, %get3A_449] {strides = array<i32>} : memref<2x32xi32, #tpu.memory_space<vmem>>, vector<16xi32>,
      %eq3A_451 = arith.constant 0 : i32
      %eq3A_452 = vector.broadcast %eq3A_451 : i32 to vector<16xi32>
      %eq3A_453 = arith.cmpi eq, %get3A_444, %eq3A_452 : vector<16xi32>
      %ge3A_454 = arith.constant 2047 : i32
      %ge3A_455 = vector.broadcast %ge3A_454 : i32 to vector<16xi32>
      %ge3A_456 = arith.cmpi sge, %get3A_450, %ge3A_455 : vector<16xi32>
      %or3A_457 = arith.ori %eq3A_453, %ge3A_456 : vector<16xi1>
      %select_n3A_458 = arith.select %or3A_457, %broadcast_in_dim3A_69, %broadcast_in_dim3A_67 : vector<16xi1>, vector<16xi32>
      %reduce_max3A_459 = arith.constant true
      %reduce_max3A_460 = vector.broadcast %reduce_max3A_459 : i1 to vector<16xi1>
      %reduce_max3A_461 = arith.constant -2147483648 : i32
      %reduce_max3A_462 = vector.broadcast %reduce_max3A_461 : i32 to vector<16xi32>
      %reduce_max3A_463 = arith.xori %select_n3A_458, %reduce_max3A_462 : vector<16xi32>
      %reduce_max3A_464 = tpu.scan <max>, %reduce_max3A_463 masked %reduce_max3A_460 : vector<16xi32>, vector<16xi1> -> vector<16xi32>
      %reduce_max3A_465 = arith.xori %reduce_max3A_464, %reduce_max3A_462 : vector<16xi32>
      %reduce_max3A_466 = vector.extract %reduce_max3A_465[15] : i32 from vector<16xi32>
      %gt3A_467 = arith.constant 0 : i32
      %gt3A_468 = arith.cmpi sgt, %reduce_max3A_466, %gt3A_467 : i32
      %convert_element_type3A_469 = arith.extui %gt3A_468 : i1 to i32
      %cond3A_470 = arith.constant 0 : i32
      %cond3A_471 = arith.cmpi ne, %convert_element_type3A_469, %cond3A_470 : i32
      scf.if %cond3A_471 {
        %broadcast_in_dim3A_496 = arith.constant 1.000000e+00 : f32
        %broadcast_in_dim3A_497 = vector.broadcast %broadcast_in_dim3A_496 : f32 to vector<16xf32>
        %broadcast_in_dim3A_498 = arith.constant 0.000000e+00 : f32
        %broadcast_in_dim3A_499 = vector.broadcast %broadcast_in_dim3A_498 : f32 to vector<16xf32>
        %ne3A_500 = arith.constant 0 : i32
        %ne3A_501 = vector.broadcast %ne3A_500 : i32 to vector<16xi32>
        %ne3A_502 = arith.cmpi ne, %get3A_444, %ne3A_501 : vector<16xi32>
        %ne3A_503 = arith.constant 0 : i32
        %ne3A_504 = vector.broadcast %ne3A_503 : i32 to vector<16xi32>
        %ne3A_505 = arith.cmpi ne, %get3A_450, %ne3A_504 : vector<16xi32>
        %or3A_506 = arith.ori %ne3A_502, %ne3A_505 : vector<16xi1>
        %select_n3A_507 = arith.select %or3A_506, %broadcast_in_dim3A_497, %broadcast_in_dim3A_499 : vector<16xi1>, vector<16xf32>
        %ge3A_508 = arith.constant 1 : i32
        %ge3A_509 = vector.broadcast %ge3A_508 : i32 to vector<16xi32>
        %ge3A_510 = arith.cmpi sge, %get3A_444, %ge3A_509 : vector<16xi32>
        %select_n3A_511 = arith.select %ge3A_510, %select_n3A_507, %broadcast_in_dim3A_499 : vector<16xi1>, vector<16xf32>
        %lt3A_512 = arith.constant 2047 : i32
        %lt3A_513 = vector.broadcast %lt3A_512 : i32 to vector<16xi32>
        %lt3A_514 = arith.cmpi slt, %get3A_450, %lt3A_513 : vector<16xi32>
        %select_n3A_515 = arith.select %lt3A_514, %select_n3A_507, %broadcast_in_dim3A_499 : vector<16xi1>, vector<16xf32>
        %scan3A_516 = arith.constant 0 : i32
        %scan3A_517 = arith.constant 0 : i32
        %scan3A_518 = arith.constant 8 : i32
        %scan3A_519 = arith.addi %scan3A_517, %scan3A_518 : i32
        %scan3A_520 = arith.constant 1 : i32
        %scan3A_521 = scf.for %scan3A_523 = %scan3A_517 to %scan3A_519 step %scan3A_520 iter_args(%scan3A_524 = %scan3A_516) -> (i32)  : i32 {
          %broadcast_in_dim3A_525 = arith.constant 8 : i32
          %broadcast_in_dim3A_526 = vector.broadcast %broadcast_in_dim3A_525 : i32 to vector<16xi32>
          %add3A_527 = vector.broadcast %scan3A_523 : i32 to vector<16xi32>
          %add3A_528 = arith.addi %broadcast_in_dim3A_526, %add3A_527 : vector<16xi32>
          %lt3A_529 = arith.constant 0 : i32
          %lt3A_530 = vector.broadcast %lt3A_529 : i32 to vector<16xi32>
          %lt3A_531 = arith.cmpi slt, %add3A_528, %lt3A_530 : vector<16xi32>
          %add3A_532 = arith.constant 16 : i32
          %add3A_533 = vector.broadcast %add3A_532 : i32 to vector<16xi32>
          %add3A_534 = arith.addi %add3A_528, %add3A_533 : vector<16xi32>
          %select_n3A_535 = arith.select %lt3A_531, %add3A_534, %add3A_528 : vector<16xi1>, vector<16xi32>
          %broadcast_in_dim3A_536 = vector.shape_cast %select_n3A_535 : vector<16xi32> to vector<16x1xi32>
          %gather3A = vector.shape_cast %broadcast_in_dim3A_536 : vector<16x1xi32> to vector<16xi32>
          %gather3A_537 = tpu.dynamic_gather %select_n3A_507[%gather3A] in [0] : vector<16xf32>, vector<16xi32> -> vector<16xf32>
          %lt3A_538 = arith.constant 0 : i32
          %lt3A_539 = vector.broadcast %lt3A_538 : i32 to vector<16xi32>
          %lt3A_540 = arith.cmpi slt, %add3A_528, %lt3A_539 : vector<16xi32>
          %add3A_541 = arith.constant 16 : i32
          %add3A_542 = vector.broadcast %add3A_541 : i32 to vector<16xi32>
          %add3A_543 = arith.addi %add3A_528, %add3A_542 : vector<16xi32>
          %select_n3A_544 = arith.select %lt3A_540, %add3A_543, %add3A_528 : vector<16xi1>, vector<16xi32>
          %broadcast_in_dim3A_545 = vector.shape_cast %select_n3A_544 : vector<16xi32> to vector<16x1xi32>
          %gather3A_546 = vector.shape_cast %broadcast_in_dim3A_545 : vector<16x1xi32> to vector<16xi32>
          %gather3A_547 = tpu.dynamic_gather %select_n3A_511[%gather3A_546] in [0] : vector<16xf32>, vector<16xi32> -> vector<16xf32>
          %lt3A_548 = arith.constant 0 : i32
          %lt3A_549 = vector.broadcast %lt3A_548 : i32 to vector<16xi32>
          %lt3A_550 = arith.cmpi slt, %add3A_528, %lt3A_549 : vector<16xi32>
          %add3A_551 = arith.constant 16 : i32
          %add3A_552 = vector.broadcast %add3A_551 : i32 to vector<16xi32>
          %add3A_553 = arith.addi %add3A_528, %add3A_552 : vector<16xi32>
          %select_n3A_554 = arith.select %lt3A_550, %add3A_553, %add3A_528 : vector<16xi1>, vector<16xi32>
          %broadcast_in_dim3A_555 = vector.shape_cast %select_n3A_554 : vector<16xi32> to vector<16x1xi32>
          %gather3A_556 = vector.shape_cast %broadcast_in_dim3A_555 : vector<16x1xi32> to vector<16xi32>
          %gather3A_557 = tpu.dynamic_gather %select_n3A_515[%gather3A_556] in [0] : vector<16xf32>, vector<16xi32> -> vector<16xf32>
          %scan3A_558 = arith.constant 0 : i32
          %scan3A_559 = arith.constant 0 : i32
          %scan3A_560 = arith.constant 32 : i32
          %scan3A_561 = arith.addi %scan3A_559, %scan3A_560 : i32
          %scan3A_562 = arith.constant 2 : i32
          %scan3A_563 = scf.for %scan3A_566 = %scan3A_559 to %scan3A_561 step %scan3A_562 iter_args(%scan3A_567 = %scan3A_558) -> (i32)  : i32 {
            %mul3A_568 = arith.constant 16 : i32
            %mul3A_569 = arith.muli %scan3A_566, %mul3A_568 : i32
            %get3A_570 = arith.constant 1 : i32
            %get3A_571 = arith.index_cast %get3A_570 : i32 to index
            %get3A_572 = arith.index_cast %scan3A_523 : i32 to index
            %get3A_573 = arith.index_cast %mul3A_569 : i32 to index
            %get3A_574 = tpu.vector_load %arg7[%get3A_571, %get3A_572, %get3A_573] {strides = array<i32>} : memref<2x16x512xf32, #tpu.memory_space<vmem>>, vector<16xf32>,
            %mul3A_575 = arith.mulf %get3A_574, %gather3A_537 : vector<16xf32>
            %swap3A_576 = arith.constant 1 : i32
            %swap3A_577 = arith.index_cast %swap3A_576 : i32 to index
            %swap3A_578 = arith.index_cast %scan3A_523 : i32 to index
            %swap3A_579 = arith.index_cast %mul3A_569 : i32 to index
            %swap3A_580 = tpu.vector_load %arg7[%swap3A_577, %swap3A_578, %swap3A_579] {strides = array<i32>} : memref<2x16x512xf32, #tpu.memory_space<vmem>>, vector<16xf32>,
            tpu.vector_store %arg7[%swap3A_577, %swap3A_578, %swap3A_579], %mul3A_575 {strides = array<i32>} : memref<2x16x512xf32, #tpu.memory_space<vmem>>, vector<16xf32>,
            %add3A_581 = arith.constant 8 : i32
            %add3A_582 = arith.addi %add3A_581, %scan3A_523 : i32
            %get3A_583 = arith.constant 1 : i32
            %get3A_584 = arith.index_cast %get3A_583 : i32 to index
            %get3A_585 = arith.index_cast %add3A_582 : i32 to index
            %get3A_586 = arith.index_cast %mul3A_569 : i32 to index
            %get3A_587 = tpu.vector_load %arg7[%get3A_584, %get3A_585, %get3A_586] {strides = array<i32>} : memref<2x16x512xf32, #tpu.memory_space<vmem>>, vector<16xf32>,
            %mul3A_588 = arith.mulf %get3A_587, %gather3A_537 : vector<16xf32>
            %add3A_589 = arith.constant 8 : i32
            %add3A_590 = arith.addi %add3A_589, %scan3A_523 : i32
            %swap3A_591 = arith.constant 1 : i32
            %swap3A_592 = arith.index_cast %swap3A_591 : i32 to index
            %swap3A_593 = arith.index_cast %add3A_590 : i32 to index
            %swap3A_594 = arith.index_cast %mul3A_569 : i32 to index
            %swap3A_595 = tpu.vector_load %arg7[%swap3A_592, %swap3A_593, %swap3A_594] {strides = array<i32>} : memref<2x16x512xf32, #tpu.memory_space<vmem>>, vector<16xf32>,
            tpu.vector_store %arg7[%swap3A_592, %swap3A_593, %swap3A_594], %mul3A_588 {strides = array<i32>} : memref<2x16x512xf32, #tpu.memory_space<vmem>>, vector<16xf32>,
            %add3A_596 = arith.constant 1024 : i32
            %add3A_597 = arith.addi %add3A_596, %mul3A_569 : i32
            %get3A_598 = arith.constant 1 : i32
            %get3A_599 = arith.index_cast %get3A_598 : i32 to index
            %get3A_600 = arith.index_cast %scan3A_523 : i32 to index
            %get3A_601 = arith.index_cast %add3A_597 : i32 to index
            %get3A_602 = tpu.vector_load %arg8[%get3A_599, %get3A_600, %get3A_601] {strides = array<i32>} : memref<2x8x2048xf32, #tpu.memory_space<vmem>>, vector<16xf32>,
            %mul3A_603 = arith.mulf %get3A_602, %gather3A_547 : vector<16xf32>
            %add3A_604 = arith.constant 1024 : i32
            %add3A_605 = arith.addi %add3A_604, %mul3A_569 : i32
            %swap3A_606 = arith.constant 1 : i32
            %swap3A_607 = arith.index_cast %swap3A_606 : i32 to index
            %swap3A_608 = arith.index_cast %scan3A_523 : i32 to index
            %swap3A_609 = arith.index_cast %add3A_605 : i32 to index
            %swap3A_610 = tpu.vector_load %arg8[%swap3A_607, %swap3A_608, %swap3A_609] {strides = array<i32>} : memref<2x8x2048xf32, #tpu.memory_space<vmem>>, vector<16xf32>,
            tpu.vector_store %arg8[%swap3A_607, %swap3A_608, %swap3A_609], %mul3A_603 {strides = array<i32>} : memref<2x8x2048xf32, #tpu.memory_space<vmem>>, vector<16xf32>,
            %add3A_611 = arith.constant 1536 : i32
            %add3A_612 = arith.addi %add3A_611, %mul3A_569 : i32
            %get3A_613 = arith.constant 1 : i32
            %get3A_614 = arith.index_cast %get3A_613 : i32 to index
            %get3A_615 = arith.index_cast %scan3A_523 : i32 to index
            %get3A_616 = arith.index_cast %add3A_612 : i32 to index
            %get3A_617 = tpu.vector_load %arg8[%get3A_614, %get3A_615, %get3A_616] {strides = array<i32>} : memref<2x8x2048xf32, #tpu.memory_space<vmem>>, vector<16xf32>,
            %mul3A_618 = arith.mulf %get3A_617, %gather3A_557 : vector<16xf32>
            %add3A_619 = arith.constant 1536 : i32
            %add3A_620 = arith.addi %add3A_619, %mul3A_569 : i32
            %swap3A_621 = arith.constant 1 : i32
            %swap3A_622 = arith.index_cast %swap3A_621 : i32 to index
            %swap3A_623 = arith.index_cast %scan3A_523 : i32 to index
            %swap3A_624 = arith.index_cast %add3A_620 : i32 to index
            %swap3A_625 = tpu.vector_load %arg8[%swap3A_622, %swap3A_623, %swap3A_624] {strides = array<i32>} : memref<2x8x2048xf32, #tpu.memory_space<vmem>>, vector<16xf32>,
            tpu.vector_store %arg8[%swap3A_622, %swap3A_623, %swap3A_624], %mul3A_618 {strides = array<i32>} : memref<2x8x2048xf32, #tpu.memory_space<vmem>>, vector<16xf32>,
            %scan3A_626 = arith.constant 0 : i32
            %scan3A_627 = arith.constant 1 : i32
            %scan3A_628 = arith.addi %scan3A_566, %scan3A_627 : i32
            %mul3A_629 = arith.constant 16 : i32
            %mul3A_630 = arith.muli %scan3A_628, %mul3A_629 : i32
            %get3A_631 = arith.constant 1 : i32
            %get3A_632 = arith.index_cast %get3A_631 : i32 to index
            %get3A_633 = arith.index_cast %scan3A_523 : i32 to index
            %get3A_634 = arith.index_cast %mul3A_630 : i32 to index
            %get3A_635 = tpu.vector_load %arg7[%get3A_632, %get3A_633, %get3A_634] {strides = array<i32>} : memref<2x16x512xf32, #tpu.memory_space<vmem>>, vector<16xf32>,
            %mul3A_636 = arith.mulf %get3A_635, %gather3A_537 : vector<16xf32>
            %swap3A_637 = arith.constant 1 : i32
            %swap3A_638 = arith.index_cast %swap3A_637 : i32 to index
            %swap3A_639 = arith.index_cast %scan3A_523 : i32 to index
            %swap3A_640 = arith.index_cast %mul3A_630 : i32 to index
            %swap3A_641 = tpu.vector_load %arg7[%swap3A_638, %swap3A_639, %swap3A_640] {strides = array<i32>} : memref<2x16x512xf32, #tpu.memory_space<vmem>>, vector<16xf32>,
            tpu.vector_store %arg7[%swap3A_638, %swap3A_639, %swap3A_640], %mul3A_636 {strides = array<i32>} : memref<2x16x512xf32, #tpu.memory_space<vmem>>, vector<16xf32>,
            %add3A_642 = arith.constant 8 : i32
            %add3A_643 = arith.addi %add3A_642, %scan3A_523 : i32
            %get3A_644 = arith.constant 1 : i32
            %get3A_645 = arith.index_cast %get3A_644 : i32 to index
            %get3A_646 = arith.index_cast %add3A_643 : i32 to index
            %get3A_647 = arith.index_cast %mul3A_630 : i32 to index
            %get3A_648 = tpu.vector_load %arg7[%get3A_645, %get3A_646, %get3A_647] {strides = array<i32>} : memref<2x16x512xf32, #tpu.memory_space<vmem>>, vector<16xf32>,
            %mul3A_649 = arith.mulf %get3A_648, %gather3A_537 : vector<16xf32>
            %add3A_650 = arith.constant 8 : i32
            %add3A_651 = arith.addi %add3A_650, %scan3A_523 : i32
            %swap3A_652 = arith.constant 1 : i32
            %swap3A_653 = arith.index_cast %swap3A_652 : i32 to index
            %swap3A_654 = arith.index_cast %add3A_651 : i32 to index
            %swap3A_655 = arith.index_cast %mul3A_630 : i32 to index
            %swap3A_656 = tpu.vector_load %arg7[%swap3A_653, %swap3A_654, %swap3A_655] {strides = array<i32>} : memref<2x16x512xf32, #tpu.memory_space<vmem>>, vector<16xf32>,
            tpu.vector_store %arg7[%swap3A_653, %swap3A_654, %swap3A_655], %mul3A_649 {strides = array<i32>} : memref<2x16x512xf32, #tpu.memory_space<vmem>>, vector<16xf32>,
            %add3A_657 = arith.constant 1024 : i32
            %add3A_658 = arith.addi %add3A_657, %mul3A_630 : i32
            %get3A_659 = arith.constant 1 : i32
            %get3A_660 = arith.index_cast %get3A_659 : i32 to index
            %get3A_661 = arith.index_cast %scan3A_523 : i32 to index
            %get3A_662 = arith.index_cast %add3A_658 : i32 to index
            %get3A_663 = tpu.vector_load %arg8[%get3A_660, %get3A_661, %get3A_662] {strides = array<i32>} : memref<2x8x2048xf32, #tpu.memory_space<vmem>>, vector<16xf32>,
            %mul3A_664 = arith.mulf %get3A_663, %gather3A_547 : vector<16xf32>
            %add3A_665 = arith.constant 1024 : i32
            %add3A_666 = arith.addi %add3A_665, %mul3A_630 : i32
            %swap3A_667 = arith.constant 1 : i32
            %swap3A_668 = arith.index_cast %swap3A_667 : i32 to index
            %swap3A_669 = arith.index_cast %scan3A_523 : i32 to index
            %swap3A_670 = arith.index_cast %add3A_666 : i32 to index
            %swap3A_671 = tpu.vector_load %arg8[%swap3A_668, %swap3A_669, %swap3A_670] {strides = array<i32>} : memref<2x8x2048xf32, #tpu.memory_space<vmem>>, vector<16xf32>,
            tpu.vector_store %arg8[%swap3A_668, %swap3A_669, %swap3A_670], %mul3A_664 {strides = array<i32>} : memref<2x8x2048xf32, #tpu.memory_space<vmem>>, vector<16xf32>,
            %add3A_672 = arith.constant 1536 : i32
            %add3A_673 = arith.addi %add3A_672, %mul3A_630 : i32
            %get3A_674 = arith.constant 1 : i32
            %get3A_675 = arith.index_cast %get3A_674 : i32 to index
            %get3A_676 = arith.index_cast %scan3A_523 : i32 to index
            %get3A_677 = arith.index_cast %add3A_673 : i32 to index
            %get3A_678 = tpu.vector_load %arg8[%get3A_675, %get3A_676, %get3A_677] {strides = array<i32>} : memref<2x8x2048xf32, #tpu.memory_space<vmem>>, vector<16xf32>,
            %mul3A_679 = arith.mulf %get3A_678, %gather3A_557 : vector<16xf32>
            %add3A_680 = arith.constant 1536 : i32
            %add3A_681 = arith.addi %add3A_680, %mul3A_630 : i32
            %swap3A_682 = arith.constant 1 : i32
            %swap3A_683 = arith.index_cast %swap3A_682 : i32 to index
            %swap3A_684 = arith.index_cast %scan3A_523 : i32 to index
            %swap3A_685 = arith.index_cast %add3A_681 : i32 to index
            %swap3A_686 = tpu.vector_load %arg8[%swap3A_683, %swap3A_684, %swap3A_685] {strides = array<i32>} : memref<2x8x2048xf32, #tpu.memory_space<vmem>>, vector<16xf32>,
            tpu.vector_store %arg8[%swap3A_683, %swap3A_684, %swap3A_685], %mul3A_679 {strides = array<i32>} : memref<2x8x2048xf32, #tpu.memory_space<vmem>>, vector<16xf32>,
            %scan3A_687 = arith.constant 0 : i32
            scf.yield %scan3A_687 : i32
          }
          %scan3A_564 = arith.constant 32 : i32
          %scan3A_565 = arith.constant 0 : i32
          scf.yield %scan3A_565 : i32
        }
        %scan3A_522 = arith.constant 8 : i32
      } else {
      }
      %parallel_loop3A_472 = arith.constant 0 : i32
      %parallel_loop3A_473 = arith.constant 8 : i32
      %parallel_loop3A_474 = arith.constant 1 : i32
      scf.for %parallel_loop3A_496 = %parallel_loop3A_472 to %parallel_loop3A_473 step %parallel_loop3A_474  : i32 {
        %parallel_loop3A_497 = arith.constant 0 : i32
        %parallel_loop3A_498 = arith.constant 32 : i32
        %parallel_loop3A_499 = arith.constant 1 : i32
        scf.for %parallel_loop3A_500 = %parallel_loop3A_497 to %parallel_loop3A_498 step %parallel_loop3A_499  : i32 {
          %parallel_loop3A_501 = arith.constant 16 : i32
          %parallel_loop3A_502 = arith.muli %parallel_loop3A_500, %parallel_loop3A_501 : i32
          %parallel_loop3A_503 = arith.constant 1 : i32
          %parallel_loop3A_504 = arith.index_cast %parallel_loop3A_503 : i32 to index
          %parallel_loop3A_505 = arith.index_cast %parallel_loop3A_496 : i32 to index
          %parallel_loop3A_506 = arith.index_cast %parallel_loop3A_502 : i32 to index
          %parallel_loop3A_507 = tpu.vector_load %arg7[%parallel_loop3A_504, %parallel_loop3A_505, %parallel_loop3A_506] {strides = array<i32>} : memref<2x16x512xf32, #tpu.memory_space<vmem>>, vector<16xf32>,
          %parallel_loop3A_508 = arith.constant 8 : i32
          %parallel_loop3A_509 = arith.addi %parallel_loop3A_508, %parallel_loop3A_496 : i32
          %parallel_loop3A_510 = arith.constant 1 : i32
          %parallel_loop3A_511 = arith.index_cast %parallel_loop3A_510 : i32 to index
          %parallel_loop3A_512 = arith.index_cast %parallel_loop3A_509 : i32 to index
          %parallel_loop3A_513 = arith.index_cast %parallel_loop3A_502 : i32 to index
          %parallel_loop3A_514 = tpu.vector_load %arg7[%parallel_loop3A_511, %parallel_loop3A_512, %parallel_loop3A_513] {strides = array<i32>} : memref<2x16x512xf32, #tpu.memory_space<vmem>>, vector<16xf32>,
          %parallel_loop3A_515 = arith.constant 1024 : i32
          %parallel_loop3A_516 = arith.addi %parallel_loop3A_515, %parallel_loop3A_502 : i32
          %parallel_loop3A_517 = arith.constant 1 : i32
          %parallel_loop3A_518 = arith.index_cast %parallel_loop3A_517 : i32 to index
          %parallel_loop3A_519 = arith.index_cast %parallel_loop3A_496 : i32 to index
          %parallel_loop3A_520 = arith.index_cast %parallel_loop3A_516 : i32 to index
          %parallel_loop3A_521 = tpu.vector_load %arg8[%parallel_loop3A_518, %parallel_loop3A_519, %parallel_loop3A_520] {strides = array<i32>} : memref<2x8x2048xf32, #tpu.memory_space<vmem>>, vector<16xf32>,
          %parallel_loop3A_522 = arith.constant 1536 : i32
          %parallel_loop3A_523 = arith.addi %parallel_loop3A_522, %parallel_loop3A_502 : i32
          %parallel_loop3A_524 = arith.constant 1 : i32
          %parallel_loop3A_525 = arith.index_cast %parallel_loop3A_524 : i32 to index
          %parallel_loop3A_526 = arith.index_cast %parallel_loop3A_496 : i32 to index
          %parallel_loop3A_527 = arith.index_cast %parallel_loop3A_523 : i32 to index
          %parallel_loop3A_528 = tpu.vector_load %arg8[%parallel_loop3A_525, %parallel_loop3A_526, %parallel_loop3A_527] {strides = array<i32>} : memref<2x8x2048xf32, #tpu.memory_space<vmem>>, vector<16xf32>,
          %parallel_loop3A_529 = arith.subf %parallel_loop3A_507, %parallel_loop3A_521 : vector<16xf32>
          %parallel_loop3A_530 = arith.constant 1 : i32
          %parallel_loop3A_531 = arith.index_cast %parallel_loop3A_530 : i32 to index
          %parallel_loop3A_532 = arith.index_cast %parallel_loop3A_496 : i32 to index
          %parallel_loop3A_533 = arith.index_cast %parallel_loop3A_502 : i32 to index
          %parallel_loop3A_534 = tpu.vector_load %arg8[%parallel_loop3A_531, %parallel_loop3A_532, %parallel_loop3A_533] {strides = array<i32>} : memref<2x8x2048xf32, #tpu.memory_space<vmem>>, vector<16xf32>,
          tpu.vector_store %arg8[%parallel_loop3A_531, %parallel_loop3A_532, %parallel_loop3A_533], %parallel_loop3A_529 {strides = array<i32>} : memref<2x8x2048xf32, #tpu.memory_space<vmem>>, vector<16xf32>,
          %parallel_loop3A_535 = arith.subf %parallel_loop3A_514, %parallel_loop3A_528 : vector<16xf32>
          %parallel_loop3A_536 = arith.constant 512 : i32
          %parallel_loop3A_537 = arith.addi %parallel_loop3A_536, %parallel_loop3A_502 : i32
          %parallel_loop3A_538 = arith.constant 1 : i32
          %parallel_loop3A_539 = arith.index_cast %parallel_loop3A_538 : i32 to index
          %parallel_loop3A_540 = arith.index_cast %parallel_loop3A_496 : i32 to index
          %parallel_loop3A_541 = arith.index_cast %parallel_loop3A_537 : i32 to index
          %parallel_loop3A_542 = tpu.vector_load %arg8[%parallel_loop3A_539, %parallel_loop3A_540, %parallel_loop3A_541] {strides = array<i32>} : memref<2x8x2048xf32, #tpu.memory_space<vmem>>, vector<16xf32>,
          tpu.vector_store %arg8[%parallel_loop3A_539, %parallel_loop3A_540, %parallel_loop3A_541], %parallel_loop3A_535 {strides = array<i32>} : memref<2x8x2048xf32, #tpu.memory_space<vmem>>, vector<16xf32>,
        } {sc.loop_unroll_factor = 8 : i64, sc.parallel_access}
      } {sc.loop_unroll_factor = 1 : i64, sc.parallel_access}
      %mul3A_475 = arith.constant 2 : i32
      %mul3A_476 = arith.muli %mul3A_475, %scan3A_178 : i32
      %add3A_477 = arith.constant 1 : i32
      %add3A_478 = arith.addi %mul3A_476, %add3A_477 : i32
      %mul3A_479 = arith.constant 8 : i32
      %mul3A_480 = arith.muli %add3A_478, %mul3A_479 : i32
      %add3A_481 = arith.addi %mul3A_2, %mul3A_480 : i32
      %dma_start3A_482 = arith.constant 1 : i32
      %dma_start3A_483 = arith.constant 0 : i32
      %dma_start3A_484 = arith.constant 0 : i32
      %dma_start3A_485 = tpu.memref_slice %arg8[%dma_start3A_482, %dma_start3A_483, %dma_start3A_484] : memref<2x8x2048xf32, #tpu.memory_space<vmem>> -> memref<1x8x2048xf32, #tpu.memory_space<vmem>>
      %dma_start3A_486 = tpu.memref_squeeze %dma_start3A_485 : memref<1x8x2048xf32, #tpu.memory_space<vmem>> -> memref<8x2048xf32, #tpu.memory_space<vmem>>
      %dma_start3A_487 = arith.constant 0 : i32
      %dma_start3A_488 = tpu.memref_slice %arg4[%add3A_481, %dma_start3A_487] : memref<1024x2048xf32, #tpu.memory_space<hbm>> -> memref<8x2048xf32, #tpu.memory_space<hbm>>
      %dma_start3A_489 = arith.constant 0 : i32
      %dma_start3A_490 = tpu.memref_slice %arg4[%add3A_481, %dma_start3A_489] : memref<1024x2048xf32, #tpu.memory_space<hbm>> -> memref<8x2048xf32, #tpu.memory_space<hbm>>
      %dma_start3A_491 = arith.constant 0 : i32
      %dma_start3A_492 = arith.constant 0 : i32
      %dma_start3A_493 = tpu.memref_slice %arg8[%dma_start3A_482, %dma_start3A_491, %dma_start3A_492] : memref<2x8x2048xf32, #tpu.memory_space<vmem>> -> memref<1x8x2048xf32, #tpu.memory_space<vmem>>
      %dma_start3A_494 = tpu.memref_squeeze %dma_start3A_493 : memref<1x8x2048xf32, #tpu.memory_space<vmem>> -> memref<8x2048xf32, #tpu.memory_space<vmem>>
      tpu.enqueue_dma source(%dma_start3A_494 : memref<8x2048xf32, #tpu.memory_space<vmem>>) target(%dma_start3A_490 : memref<8x2048xf32, #tpu.memory_space<hbm>>) target_semaphore(%arg12 : memref<!tpu.dma_semaphore, #tpu.memory_space<semaphore_mem>>)
      %scan3A_495 = arith.constant 0 : i32
      scf.yield %scan3A_495 : i32
    }
    %scan3A_147 = arith.constant 2 : i32
    %dma_wait3A_148 = arith.constant 0 : i32
    %dma_wait3A_149 = arith.constant 0 : i32
    %dma_wait3A_150 = arith.constant 0 : i32
    %dma_wait3A_151 = tpu.memref_slice %arg8[%dma_wait3A_148, %dma_wait3A_149, %dma_wait3A_150] : memref<2x8x2048xf32, #tpu.memory_space<vmem>> -> memref<1x8x2048xf32, #tpu.memory_space<vmem>>
    %dma_wait3A_152 = tpu.memref_squeeze %dma_wait3A_151 : memref<1x8x2048xf32, #tpu.memory_space<vmem>> -> memref<8x2048xf32, #tpu.memory_space<vmem>>
    %dma_wait3A_153 = arith.constant 0 : i32
    %dma_wait3A_154 = arith.constant 0 : i32
    %dma_wait3A_155 = tpu.memref_slice %arg4[%dma_wait3A_153, %dma_wait3A_154] : memref<1024x2048xf32, #tpu.memory_space<hbm>> -> memref<8x2048xf32, #tpu.memory_space<hbm>>
    %dma_wait3A_156 = arith.constant 0 : i32
    %dma_wait3A_157 = arith.constant 0 : i32
    %dma_wait3A_158 = tpu.memref_slice %arg4[%dma_wait3A_156, %dma_wait3A_157] : memref<1024x2048xf32, #tpu.memory_space<hbm>> -> memref<8x2048xf32, #tpu.memory_space<hbm>>
    %dma_wait3A_159 = arith.constant 0 : i32
    %dma_wait3A_160 = arith.constant 0 : i32
    %dma_wait3A_161 = tpu.memref_slice %arg8[%dma_wait3A_148, %dma_wait3A_159, %dma_wait3A_160] : memref<2x8x2048xf32, #tpu.memory_space<vmem>> -> memref<1x8x2048xf32, #tpu.memory_space<vmem>>
    %dma_wait3A_162 = tpu.memref_squeeze %dma_wait3A_161 : memref<1x8x2048xf32, #tpu.memory_space<vmem>> -> memref<8x2048xf32, #tpu.memory_space<vmem>>
    tpu.wait_dma2 semaphore(%arg11 : memref<!tpu.dma_semaphore, #tpu.memory_space<semaphore_mem>>) src(%dma_wait3A_162 : memref<8x2048xf32, #tpu.memory_space<vmem>>) dst(%dma_wait3A_158 : memref<8x2048xf32, #tpu.memory_space<hbm>>)
    %dma_wait3A_163 = arith.constant 1 : i32
    %dma_wait3A_164 = arith.constant 0 : i32
    %dma_wait3A_165 = arith.constant 0 : i32
    %dma_wait3A_166 = tpu.memref_slice %arg8[%dma_wait3A_163, %dma_wait3A_164, %dma_wait3A_165] : memref<2x8x2048xf32, #tpu.memory_space<vmem>> -> memref<1x8x2048xf32, #tpu.memory_space<vmem>>
    %dma_wait3A_167 = tpu.memref_squeeze %dma_wait3A_166 : memref<1x8x2048xf32, #tpu.memory_space<vmem>> -> memref<8x2048xf32, #tpu.memory_space<vmem>>
    %dma_wait3A_168 = arith.constant 0 : i32
    %dma_wait3A_169 = arith.constant 0 : i32
    %dma_wait3A_170 = tpu.memref_slice %arg4[%dma_wait3A_168, %dma_wait3A_169] : memref<1024x2048xf32, #tpu.memory_space<hbm>> -> memref<8x2048xf32, #tpu.memory_space<hbm>>
    %dma_wait3A_171 = arith.constant 0 : i32
    %dma_wait3A_172 = arith.constant 0 : i32
    %dma_wait3A_173 = tpu.memref_slice %arg4[%dma_wait3A_171, %dma_wait3A_172] : memref<1024x2048xf32, #tpu.memory_space<hbm>> -> memref<8x2048xf32, #tpu.memory_space<hbm>>
    %dma_wait3A_174 = arith.constant 0 : i32
    %dma_wait3A_175 = arith.constant 0 : i32
    %dma_wait3A_176 = tpu.memref_slice %arg8[%dma_wait3A_163, %dma_wait3A_174, %dma_wait3A_175] : memref<2x8x2048xf32, #tpu.memory_space<vmem>> -> memref<1x8x2048xf32, #tpu.memory_space<vmem>>
    %dma_wait3A_177 = tpu.memref_squeeze %dma_wait3A_176 : memref<1x8x2048xf32, #tpu.memory_space<vmem>> -> memref<8x2048xf32, #tpu.memory_space<vmem>>
    tpu.wait_dma2 semaphore(%arg12 : memref<!tpu.dma_semaphore, #tpu.memory_space<semaphore_mem>>) src(%dma_wait3A_177 : memref<8x2048xf32, #tpu.memory_space<vmem>>) dst(%dma_wait3A_173 : memref<8x2048xf32, #tpu.memory_space<hbm>>)
    return
  }
}

</mosaic_0001>

<sc_bundles>
// kernel: _launch.3.cloned.1.call-start
scs
__scs_entry_jumppad:
0x0: {  	(pc) =	sbr.rel $0x88, $3  }
0x1: {  	(tag) =	ssettag $0x0;
	lr =	simm.s32 $0x1  }
0x2: {  	[smem:$0x3F9F] =	sst lr;
	_ =	strace $0xD0000000  }
0x3: {  	_ = 	snop  }
0x4: {  	_ = 	snop  }
0x5: {  	_ = 	snop  }
0x6: {  	_ = 	snop  }
0x7: {  	_ = 	snop  }
__scs_overlays_trampoline_lowered:
0x8: {  	[smem:$0x3FAE] =	sst s0  }
0x9: {  	[smem:$0x3FAF] =	sst s1  }
0xa: {  	[smem:$0x3FB0] =	sst s2  }
0xb: {  	[smem:$0x3FB1] =	sst s3  }
0xc: {  	[smem:$0x3FB2] =	sst s4  }
0xd: {  	[smem:$0x3FB3] =	sst s5  }
0xe: {  	[smem:$0x3FB4] =	sst s6  }
0xf: {  	[smem:$0x3FB5] =	sst s7  }
0x10: {  	[smem:$0x3FB6] =	sst s8  }
0x11: {  	[smem:$0x3FB7] =	sst s9;
	s0 =	simm.s32 @!p0 $0x0  }
0x12: {  	s1 =	sld [smem:$0x3F9D];
	s0 =	simm.s32 @p0 $0x1  }
0x13: {  	[smem:$0x3FB8] =	sst s0;
	s0 =	simm.s32 @!p1 $0x0  }
0x14: {  	s2 =	sld [smem:$0x3F9C];
	s0 =	simm.s32 @p1 $0x1  }
0x15: {  	[smem:$0x3FB9] =	sst s0;
	s0 =	simm.s32 @!p2 $0x0  }
0x16: {  	s3 =	sld [smem:$0x3FDB];
	s0 =	simm.s32 @p2 $0x1  }
0x17: {  	s4 =	simm.s32 $0x1BF5;
	[smem:$0x3FBB] =	sst s0  }
0x18: {  	s0 =	sld [smem:$0x3F9E];
	_ =	swait.ge [sflag:s4], $0x0  }
0x19: {  	s7 =	sld [smem:$0x3F9F]  }
0x1a: {  	s8 =	sadd.s32 $0xFFFFE003, lr  }
0x1b: {  	s9 =	sadd.s32 $0xFFFFFEF7, lr;
	s5 =	simm.s32 $0xFFFFFFFF;
	p2 =	slt.u32 s8, $0xFFFFF086  }
0x1c: {  	p1 =	slt.u32 s9, $0xF7A;
	s5 =	simm.s32 @!p2 $0x0  }
0x1d: {  	s5 =	simm.s32 @p1 $0x1;
	p0 =	seq.s32 s7, s2  }
0x1e: {  	s7 =	smul.u32 @!p0 $0xF7A, s2;
	p2 =	seq.s32 @!p0 s5, $0x0  }
0x1f: {  	s9 =	smul.u32 $0xF7A, s1;
	s8 =	simm.s32 @!p0 $0x1BF5;
	p2 =	por !p2, p0  }
0x20: {  	[sflag:s8] =	ssyncset.s32 @!p0 $0xFFFFF086;
	s6 =	sadd.s32 @!p0 s3, s7;
	s7 =	simm.s32 @!p0 $0x108  }
0x21: {  	s3 =	sadd.s32 s3, s9;
	s6 =	sadd.s32 @!p0 $0x88, s6;
	s7 =	simm.s32 @p2 $0x1082  }
0x22: {  	[simem:s7], [sflag:s8] =	dma.local @!p0 [hbm:s6], $0xF7A  }
0x23: {  	s9 =	sor.u32 $0xD0000000, s2;
	s6 =	simm.s32 $0x108;
	_ =	swait.ge @!p0 [sflag:s8], $0x0  }
0x24: {  	s3 =	sadd.s32 $0x88, s3;
	s6 =	simm.s32 @!p1 $0x1082;
	[sflag:s4] =	ssyncset.s32 $0xFFFFF086  }
0x25: {  	[simem:s6], [sflag:s4] =	dma.local [hbm:s3], $0xF7A  }
0x26: {  	[smem:$0x3F9F] =	sst s1;
	(tag) =	ssettag s2;
	_ =	strace s9  }
0x27: {  	s1 =	sld [smem:$0x3FAF]  }
0x28: {  	s2 =	sld [smem:$0x3FB0]  }
0x29: {  	s4 =	sld [smem:$0x3FB2]  }
0x2a: {  	p0 =	seq.s32 s5, $0x0;
	s5 =	sld [smem:$0x3FB3]  }
0x2b: {  	s6 =	sld [smem:$0x3FB4]  }
0x2c: {  	s7 =	sld [smem:$0x3FB5]  }
0x2d: {  	s3 =	simm.s32 $0x108;
	s8 =	sld [smem:$0x3FB6]  }
0x2e: {  	s3 =	simm.s32 @!p0 $0x1082;
	s9 =	sld [smem:$0x3FB7]  }
0x2f: {  	lr =	sadd.s32 s0, s3;
	s0 =	sld [smem:$0x3FAE]  }
0x30: {  	s3 =	sld [smem:$0x3FB1]  }
0x31: {  	[smem:$0x3FBA] =	sst s10  }
0x32: {  	s10 =	sld [smem:$0x3FB8];
	_ =	sdelay $0x3  }
0x33: {  	p0 =	seq.s32 s10, $0x1;
	s10 =	sld [smem:$0x3FBA];
	_ =	sdelay $0x3  }
0x34: {  	[smem:$0x3FBA] =	sst s10  }
0x35: {  	s10 =	sld [smem:$0x3FB9];
	_ =	sdelay $0x3  }
0x36: {  	p1 =	seq.s32 s10, $0x1;
	s10 =	sld [smem:$0x3FBA];
	_ =	sdelay $0x3  }
0x37: {  	[smem:$0x3FBA] =	sst s10  }
0x38: {  	s10 =	sld [smem:$0x3FBB]  }
0x39: {  	_ = 	snop;
	(pc) =	sbr.ind lr, $3  }
0x3a: {  	_ = 	snop  }
0x3b: {  	_ = 	snop  }
0x3c: {  	p2 =	seq.s32 s10, $0x1;
	s10 =	sld [smem:$0x3FBA]  }
0x3d: {  	_ =	shalt  }
0x3e: {  	_ =	shalt  }
0x3f: {  	_ =	shalt  }
0x40: {  	_ =	shalt  }
0x41: {  	_ =	shalt  }
0x42: {  	_ =	shalt  }
0x43: {  	_ =	shalt  }
0x44: {  	_ =	shalt  }
0x45: {  	_ =	shalt  }
0x46: {  	_ =	shalt  }
0x47: {  	_ =	shalt  }
0x48: {  	_ =	shalt  }
0x49: {  	_ =	shalt  }
0x4a: {  	_ =	shalt  }
0x4b: {  	_ =	shalt  }
0x4c: {  	_ =	shalt  }
0x4d: {  	_ =	shalt  }
0x4e: {  	_ =	shalt  }
0x4f: {  	_ =	shalt  }
0x50: {  	_ =	shalt  }
0x51: {  	_ =	shalt  }
0x52: {  	_ =	shalt  }
0x53: {  	_ =	shalt  }
0x54: {  	_ =	shalt  }
0x55: {  	_ =	shalt  }
0x56: {  	_ =	shalt  }
0x57: {  	_ =	shalt  }
0x58: {  	_ =	shalt  }
0x59: {  	_ =	shalt  }
0x5a: {  	_ =	shalt  }
0x5b: {  	_ =	shalt  }
0x5c: {  	_ =	shalt  }
0x5d: {  	_ =	shalt  }
0x5e: {  	_ =	shalt  }
0x5f: {  	_ =	shalt  }
0x60: {  	_ =	shalt  }
0x61: {  	_ =	shalt  }
0x62: {  	_ =	shalt  }
0x63: {  	_ =	shalt  }
0x64: {  	_ =	shalt  }
0x65: {  	_ =	shalt  }
0x66: {  	_ =	shalt  }
0x67: {  	_ =	shalt  }
0x68: {  	_ =	shalt  }
0x69: {  	_ =	shalt  }
0x6a: {  	_ =	shalt  }
0x6b: {  	_ =	shalt  }
0x6c: {  	_ =	shalt  }
0x6d: {  	_ =	shalt  }
0x6e: {  	_ =	shalt  }
0x6f: {  	_ =	shalt  }
0x70: {  	_ =	shalt  }
0x71: {  	_ =	shalt  }
0x72: {  	_ =	shalt  }
0x73: {  	_ =	shalt  }
0x74: {  	_ =	shalt  }
0x75: {  	_ =	shalt  }
0x76: {  	_ =	shalt  }
0x77: {  	_ =	shalt  }
0x78: {  	_ =	shalt  }
0x79: {  	_ =	shalt  }
0x7a: {  	_ =	shalt  }
0x7b: {  	_ =	shalt  }
0x7c: {  	_ =	shalt  }
0x7d: {  	_ =	shalt  }
0x7e: {  	_ =	shalt  }
0x7f: {  	_ =	shalt  }
0x80: {  	_ =	shalt  }
0x81: {  	_ =	shalt  }
0x82: {  	_ =	shalt  }
0x83: {  	_ =	shalt  }
0x84: {  	_ =	shalt  }
0x85: {  	_ =	shalt  }
0x86: {  	_ =	shalt  }
0x87: {  	_ =	shalt  }
.Lfunc_end0:
.L_simem_size_0:
called_computation_lowered:
.L_overlay_start_0:
0x88: {  	s2 =	sld [smem:$0x3FD9]  }
0x89: {  	s3 =	sld [smem:$0x3FFE];
	_ =	sdelay $0x1  }
0x8a: {  	s1 =	srdreg.scid  }
0x8b: {  	s0 =	sand.u32 $0x1, s1  }
0x8c: {  	s18 =	sshll.u32 s0, $0xA;
	s2 =	sadd.s32 s3, s2  }
0x8d: {  	s2 =	sadd.s32 s2, s18  }
0x8e: {  	[smem:$0x3FC6] =	sst s2  }
0x8f: {  	_ = 	snop  }
0x90: {  	s2 =	sld [smem:$0x3FC9]  }
0x91: {  	s19 =	sld [smem:$0x3FC8]  }
0x92: {  	s4 =	sld [smem:$0x3FD0];
	(tm) =	ssettm $0x1  }
0x93: {  	s5 =	sld [smem:$0x3FFB];
	_ =	sdelay $0x3  }
0x94: {  	_ =	strace s5  }
0x95: {  	s5 =	sld [smem:$0x3FFC];
	_ =	sdelay $0x3  }
0x96: {  	_ =	strace s5  }
0x97: {  	s5 =	sld [smem:$0x3FFD];
	_ =	sdelay $0x3  }
0x98: {  	_ =	strace s5  }
0x99: {  	_ =	strace $0x8FFFFFFF  }
0x9a: {  	s20 =	sld [smem:$0x3FDB];
	_ =	sdelay $0x1  }
0x9b: {  	s6 =	simm.s32 $_scs_section_size  }
0x9c: {  	s7 =	simm.s32 $_size__tile_overlayer_lowered;
	s8 =	simm.s32 $_tile_overlayer_lowered  }
0x9d: {  	s23 =	simm.s32 $0x1BFF;
	s22 =	sshll.u32 s8, $0x1;
	s5 =	sadd.s32 s6, s20  }
0x9e: {  	s9 =	simm.s32 $0x0;
	s21 =	sshll.u32 s7, $0x1;
	s7 =	sadd.s32 s22, s5  }
0x9f: {  	[timem:s9], [sflag:s23] =	dma.local [hbm:s7], s21  }
0xa0: {  	_ =	swait.ge [sflag:s23], s21  }
0xa1: {  	s6 =	ssub.s32 $0x0, s21;
	[sflag:s23] =	ssyncset.done $0x0  }
0xa2: {  	[sflag:s23] =	ssyncadd.s32 s6;
	_ =	sdelay $0x1  }
0xa3: {  	s24 =	simm.s32 $0x1B8B  }
0xa4: {  	_ =	swait.ge [sflag:s24], $0x1  }
0xa5: {  	[sflag:s24] =	ssyncset.done $0x0  }
0xa6: {  	s25 =	simm.s32 $0x1B8E;
	[sflag:s24] =	ssyncadd.s32 $0xFFFFFFFF  }
0xa7: {  	s26 =	simm.s32 $execute0_lowered;
	[smem:$0x3FD2] =	sst s25  }
0xa8: {  	s6 =	sshll.u32 s26, $0x1;
	_ =	strace $0x80000046;
	[dreg:$0x1] =	wrdreg $0xFFFFFFFF  }
0xa9: {  	s28 =	simm.s32 $_size_execute0_lowered;
	s5 =	sadd.s32 s5, s6;
	[dreg:$0x0] =	wrdreg $0x0  }
0xaa: {  	s6 =	sshll.u32 s28, $0x1;
	[dreg:$0x2] =	wrdreg s5  }
0xab: {  	[dreg:$0x3] =	wrdreg s6  }
0xac: {  	[dreg:$0x4] =	wrdreg $0xC0  }
0xad: {  	_ =	task [dreg:s9], $0x5FFFF  }
0xae: {  	[dreg:$0x1] =	wrdreg $0xFFFFFFFF  }
0xaf: {  	[dreg:$0x0] =	wrdreg $0x60  }
0xb0: {  	[dreg:$0x2] =	wrdreg s2  }
0xb1: {  	[dreg:$0x3] =	wrdreg s19  }
0xb2: {  	[dreg:$0x4] =	wrdreg s4  }
0xb3: {  	[dreg:$0x5] =	wrdreg $0x9  }
0xb4: {  	_ =	task.clear_ibuf [dreg:s9], $0x6FFFF;
	_ =	strace $0x90000046  }
0xb5: {  	s29 =	simm.s32 $0x9;
	_ =	strace $0x80000048  }
0xb6: {  	_ =	swait.ge [sflag:s29], $0x1  }
0xb7: {  	[sflag:s29] =	ssyncadd.s32 $0xFFFFFFFF  }
0xb8: {  	_ =	strace $0x90000048  }
0xb9: {  	_ =	sfence  }
0xba: {  	s30 =	sld [smem:$0x0];
	_ =	sdelay $0x2  }
0xbb: {  	s31 =	sshll.u32 s1, $0xD;
	s1 =	sshrl.u32 s1, $0x2  }
0xbc: {  	s3 =	sand.u32 $0x4000, s31;
	s1 =	sadd.s32 s1, s30  }
0xbd: {  	s0 =	sor.u32 s3, s0;
	s1 =	sshll.u32 s1, $0x11  }
0xbe: {  	s0 =	sor.u32 s1, s0  }
0xbf: {  	s0 =	sadd.s32 $0x8F2B, s0  }
0xc0: {  	[sflag:s0] =	ssyncadd.remote.s32 $0x1  }
0xc1: {  	_ =	sfence.sel $0xFFFF  }
0xc2: {  	[dreg:$0x0] =	wrdreg $0xFFFFFFFF;
	(pc) =	sbr.abs _section_cstart, $3  }
0xc3: {  	[dreg:$0x1] =	wrdreg $0xFFFFFFFF  }
0xc4: {  	_ =	task.clear_ibuf [dreg:s9], $0x2FFFF;
	_ =	strace $0x9FFFFFFF  }
0xc5: {  	(tm) =	ssettm $0x7FFFFFFF  }
tec
execute0_lowered:
.L_overlay_start_1:
0x0: {  	(tag) =	ssettag $0x1  }
0x1: {  	s1 =	rddreg [dreg:$0x0];
	s0 =	srdreg.scid  }
0x2: {  	s2 =	rddreg [dreg:$0x1];
	s8 =	stileid.u32  }
0x3: {  	s3 =	rddreg [dreg:$0x2];
	s12 =	simm.s32 $0x1;
	s26 =	simm.s32 $0xA180  }
0x4: {  	s28 =	simm.s32 $0xA980;
	s29 =	simm.s32 $0xB180;
	s30 =	simm.s32 $0xB980  }
0x5: {  	s31 =	simm.s32 $0x4180;
	s10 =	simm.s32 $0x0;
	s0 =	sand.u32 $0x1, s0  }
0x6: {  	s4 =	sshll.u32 s8, $0x6;
	s6 =	sshll.u32 s8, $0x7;
	s24 =	sshll.u32 s8, $0x9  }
0x7: {  	s8 =	sadd.s32 $0x100, s1;
	s9 =	sadd.s32 $0x200, s1;
	s5 =	sshll.u32 s0, $0x5  }
0x8: {  	s6 =	sand.u32 $0x700, s6;
	s0 =	ssub.s32 $0x2, s0;
	s4 =	sor.u32 s5, s4  }
0x9: {  	s25 =	sand.u32 $0x1800, s24;
	s23 =	sshrl.u32 s0, $0x1;
	s7 =	sand.u32 $0x60, s4  }
0xa: {  	s5 =	simm.s32 $0x0;
	s0 =	ssub.s32 s0, s23;
	s6 =	sor.u32 s6, s7  }
0xb: {  	[smem:$0x7FF] =	sst s5;
	s0 =	smax.u32 s0, $0x1;
	s6 =	sshrl.u32 s6, $0x3  }
0xc: {  	v1 =	vlaneseq.u32;
	vm0 =	vmmov $0xffff;
	_ =	strace $0x80000047;
	[dreg:$0x6] =	wrdreg s0;
	s6 =	sadd.s32 s2, s6  }
0xd: {  	v3 =	vimm.s32 $0x0;
	v4 =	vimm.f32 $1.000000000e+00;
	v2 =	vshrl.u32 v1, $0x3;
	s16 =	sadd.s32 $0x100, s9;
	[dreg:$0x4] =	wrdreg s6;
	s6 =	sadd.s32 $0x10, s6  }
0xe: {  	v1 =	vand.u32 $0x7, v1;
	v2 =	vmul.u32 $0x8, v2;
	v0 =	vmov s25;
	s0 =	simm.s32 $0x8180;
	s2 =	simm.s32 $0x2;
	[dreg:$0x5] =	wrdreg s6  }
.LBB2_1:
0xf: {  	[dreg:$0x7] =	wrdreg s10  }
0x10: {  	s6 =	rddreg [dreg:$0x4]  }
0x11: {  	[tilespmem:s5], [sflag:$0x1] =	stream.linear.gather [hbm4b:s6+s5], $0x20, $0x38;
	[tilespmem:$0xC180] =	vst v63  }
0x12: {  	s17 =	rddreg [dreg:$0x5];
	s7 =	simm.s32 $0x80  }
0x13: {  	[tilespmem:s7], [sflag:$0x1] =	stream.linear.gather [hbm4b:s17+s5], $0x20, $0x38;
	[tilespmem:$0xC180] =	vst v63  }
0x14: {  	_ =	swait.ge [sflag:s12], $0x20  }
0x15: {  	[sflag:s12] =	ssyncset.done $0x0  }
0x16: {  	[sflag:s12] =	ssyncadd.s32 $0xFFFFFFE0  }
0x17: {  	_ =	swait.ge [sflag:s12], $0x20  }
0x18: {  	[sflag:s12] =	ssyncset.done $0x0  }
0x19: {  	[sflag:s12] =	ssyncadd.s32 $0xFFFFFFE0  }
0x1a: {  	v5 =	vld [tilespmem:$0x80];
	_ =	sdelay $0x4  }
0x1b: {  	v6 =	vadd.s32 v0, v5  }
0x1c: {  	[tilespmem:$0x100] =	vst v6  }
0x1d: {  	v6 =	vld.msk [tilespmem:$0x100], $0xff;
	_ =	sdelay $0x3  }
0x1e: {  	v7 =	vld [tilespmem:$0x0]  }
0x1f: {  	v8 =	vshll.u32 v6, $0x3  }
0x20: {  	v6 =	vand.u32 $0x7, v6;
	v8 =	vand.u32 $0xFFFFFFC0, v8  }
0x21: {  	v6 =	vor.u32 v6, v8  }
0x22: {  	v6 =	vperm.xlane v6, v1  }
0x23: {  	v63 =	vadd.s32 $0xFFFFFFFF, v7  }
0x24: {  	v5 =	vadd.s32 $0x1, v5;
	vm1 =	vgt.s32 v63, $0x0;
	v6 =	vadd.s32 v2, v6  }
0x25: {  	v7 =	vadd.s32 v0, v7;
	v8 =	vnsel vm1, $0x0, v63;
	vm1 =	vlt.s32 v5, $0x7FF  }
0x26: {  	[tilespmem:$0x110] =	vst v7;
	v5 =	vnsel vm1, $0x7FF, v5;
	v7 =	vadd.s32 v0, v8  }
0x27: {  	[tilespmem:$0x120] =	vst v7;
	v5 =	vadd.s32 v0, v5  }
0x28: {  	s18 =	simm.s32 $0x180;
	[tilespmem:$0x130] =	vst v5  }
0x29: {  	[tilespmem:s18], [sflag:$0x1] =	stream.indirect_vreg.gather [hbm4b:s1+s5], $0x80, v6, vm0, $0xb8;
	[tilespmem:$0xC180] =	vst v63  }
0x2a: {  	s19 =	simm.s32 $0x980  }
0x2b: {  	[tilespmem:s19], [sflag:$0x1] =	stream.indirect_vreg.gather [hbm4b:s8+s5], $0x80, v6, vm0, $0xb8;
	[tilespmem:$0xC180] =	vst v63  }
0x2c: {  	v5 =	vld.msk [tilespmem:$0x110], $0xff;
	_ =	sdelay $0x4  }
0x2d: {  	v6 =	vshll.u32 v5, $0x3  }
0x2e: {  	v5 =	vand.u32 $0x7, v5;
	v6 =	vand.u32 $0xFFFFFFC0, v6  }
0x2f: {  	v5 =	vor.u32 v5, v6  }
0x30: {  	v5 =	vperm.xlane v5, v1;
	_ =	sdelay $0x1  }
0x31: {  	v5 =	vadd.s32 v2, v5;
	_ =	sdelay $0x3  }
0x32: {  	s20 =	simm.s32 $0x1180  }
0x33: {  	[tilespmem:s20], [sflag:$0x1] =	stream.indirect_vreg.gather [hbm4b:s9+s5], $0x80, v5, vm0, $0xb8;
	[tilespmem:$0xC180] =	vst v63  }
0x34: {  	s21 =	simm.s32 $0x1980  }
0x35: {  	[tilespmem:s21], [sflag:$0x1] =	stream.indirect_vreg.gather [hbm4b:s16+s5], $0x80, v5, vm0, $0xb8;
	[tilespmem:$0xC180] =	vst v63  }
0x36: {  	v5 =	vld.msk [tilespmem:$0x120], $0xff;
	_ =	sdelay $0x4  }
0x37: {  	v6 =	vshll.u32 v5, $0x3  }
0x38: {  	v5 =	vand.u32 $0x7, v5;
	v6 =	vand.u32 $0xFFFFFFC0, v6  }
0x39: {  	v5 =	vor.u32 v5, v6  }
0x3a: {  	v5 =	vperm.xlane v5, v1;
	_ =	sdelay $0x1  }
0x3b: {  	v5 =	vadd.s32 v2, v5;
	_ =	sdelay $0x3  }
0x3c: {  	s22 =	simm.s32 $0x6180  }
0x3d: {  	[tilespmem:s22], [sflag:$0x1] =	stream.indirect_vreg.gather [hbm4b:s1+s5], $0x80, v5, vm0, $0xb8;
	[tilespmem:$0xC180] =	vst v63  }
0x3e: {  	s23 =	simm.s32 $0x6980  }
0x3f: {  	[tilespmem:s23], [sflag:$0x1] =	stream.indirect_vreg.gather [hbm4b:s8+s5], $0x80, v5, vm0, $0xb8;
	[tilespmem:$0xC180] =	vst v63  }
0x40: {  	v5 =	vld.msk [tilespmem:$0x130], $0xff;
	_ =	sdelay $0x4  }
0x41: {  	v6 =	vshll.u32 v5, $0x3  }
0x42: {  	v5 =	vand.u32 $0x7, v5;
	v6 =	vand.u32 $0xFFFFFFC0, v6  }
0x43: {  	v5 =	vor.u32 v5, v6  }
0x44: {  	v5 =	vperm.xlane v5, v1;
	_ =	sdelay $0x1  }
0x45: {  	v5 =	vadd.s32 v2, v5;
	_ =	sdelay $0x3  }
0x46: {  	s24 =	simm.s32 $0x7180;
	s25 =	simm.s32 $0x7980  }
0x47: {  	[tilespmem:s24], [sflag:$0x1] =	stream.indirect_vreg.gather [hbm4b:s9+s5], $0x80, v5, vm0, $0xb8;
	[tilespmem:$0xC180] =	vst v63  }
0x48: {  	p1 =	por $0x0, $0x0;
	p2 =	por $0x1, $0x1;
	s7 =	simm.s32 $0x0  }
0x49: {  	[tilespmem:s25], [sflag:$0x1] =	stream.indirect_vreg.gather [hbm4b:s16+s5], $0x80, v5, vm0, $0xb8;
	[tilespmem:$0xC180] =	vst v63  }
.LBB2_2:
0x4a: {  	v5 =	vld @p2 [tilespmem:$0x10]  }
0x4b: {  	v6 =	vld @p2 [tilespmem:$0x90];
	_ =	sdelay $0x3  }
0x4c: {  	v7 =	vadd.s32 @p2 $0xFFFFFFFF, v5  }
0x4d: {  	v8 =	vadd.s32 @p2 v0, v6;
	v6 =	vadd.s32 @p2 $0x1, v6;
	vm1 =	vgt.s32 @p2 v7, $0x0  }
0x4e: {  	v5 =	vadd.s32 @p2 v0, v5;
	[tilespmem:$0x140] =	vst @p2 v8;
	v7 =	vnsel @p2 vm1, $0x0, v7;
	vm1 =	vlt.s32 @p2 v6, $0x7FF  }
0x4f: {  	[tilespmem:$0x150] =	vst @p2 v5;
	v5 =	vadd.s32 @p2 v0, v7;
	v6 =	vnsel @p2 vm1, $0x7FF, v6  }
0x50: {  	s6 =	sshll.u32 s7, $0x6;
	[tilespmem:$0x160] =	vst @p2 v5;
	v5 =	vadd.s32 @p2 v0, v6  }
0x51: {  	s6 =	sand.u32 $0x3FFFFFC0, s6;
	[tilespmem:$0x170] =	vst @p2 v5  }
0x52: {  	v5 =	vld.msk [tilespmem:s6+$0x108], $0xff;
	_ =	sdelay $0x4  }
0x53: {  	v6 =	vshll.u32 v5, $0x3  }
0x54: {  	v5 =	vand.u32 $0x7, v5;
	v6 =	vand.u32 $0xFFFFFFC0, v6  }
0x55: {  	v5 =	vor.u32 v5, v6  }
0x56: {  	v5 =	vperm.xlane v5, v1;
	_ =	sdelay $0x1  }
0x57: {  	v5 =	vadd.s32 v2, v5;
	_ =	sdelay $0x3  }
0x58: {  	s10 =	simm.s32 $0x2180  }
0x59: {  	[tilespmem:s10], [sflag:$0x2] =	stream.indirect_vreg.gather [hbm4b:s1+s5], $0x80, v5, vm0, $0xb8;
	[tilespmem:$0xC180] =	vst v63  }
0x5a: {  	s22 =	simm.s32 $0x2980  }
0x5b: {  	[tilespmem:s22], [sflag:$0x2] =	stream.indirect_vreg.gather [hbm4b:s8+s5], $0x80, v5, vm0, $0xb8;
	[tilespmem:$0xC180] =	vst v63  }
0x5c: {  	v5 =	vld.msk [tilespmem:s6+$0x118], $0xff;
	_ =	sdelay $0x4  }
0x5d: {  	v6 =	vshll.u32 v5, $0x3  }
0x5e: {  	v5 =	vand.u32 $0x7, v5;
	v6 =	vand.u32 $0xFFFFFFC0, v6  }
0x5f: {  	v5 =	vor.u32 v5, v6  }
0x60: {  	v5 =	vperm.xlane v5, v1;
	_ =	sdelay $0x1  }
0x61: {  	v5 =	vadd.s32 v2, v5;
	_ =	sdelay $0x3  }
0x62: {  	s23 =	simm.s32 $0x3180  }
0x63: {  	[tilespmem:s23], [sflag:$0x2] =	stream.indirect_vreg.gather [hbm4b:s9+s5], $0x80, v5, vm0, $0xb8;
	[tilespmem:$0xC180] =	vst v63  }
0x64: {  	s24 =	simm.s32 $0x3980  }
0x65: {  	[tilespmem:s24], [sflag:$0x2] =	stream.indirect_vreg.gather [hbm4b:s16+s5], $0x80, v5, vm0, $0xb8;
	[tilespmem:$0xC180] =	vst v63  }
0x66: {  	v5 =	vld.msk [tilespmem:s6+$0x128], $0xff;
	_ =	sdelay $0x4  }
0x67: {  	v6 =	vshll.u32 v5, $0x3  }
0x68: {  	v5 =	vand.u32 $0x7, v5;
	v6 =	vand.u32 $0xFFFFFFC0, v6  }
0x69: {  	v5 =	vor.u32 v5, v6  }
0x6a: {  	v5 =	vperm.xlane v5, v1;
	_ =	sdelay $0x1  }
0x6b: {  	v5 =	vadd.s32 v2, v5;
	_ =	sdelay $0x4  }
0x6c: {  	[tilespmem:s26], [sflag:$0x2] =	stream.indirect_vreg.gather [hbm4b:s1+s5], $0x80, v5, vm0, $0xb8;
	[tilespmem:$0xC180] =	vst v63  }
0x6d: {  	_ = 	snop  }
0x6e: {  	[tilespmem:s28], [sflag:$0x2] =	stream.indirect_vreg.gather [hbm4b:s8+s5], $0x80, v5, vm0, $0xb8;
	[tilespmem:$0xC180] =	vst v63  }
0x6f: {  	v5 =	vld.msk [tilespmem:s6+$0x138], $0xff;
	_ =	sdelay $0x4  }
0x70: {  	v6 =	vshll.u32 v5, $0x3  }
0x71: {  	v5 =	vand.u32 $0x7, v5;
	v6 =	vand.u32 $0xFFFFFFC0, v6  }
0x72: {  	v5 =	vor.u32 v5, v6  }
0x73: {  	v5 =	vperm.xlane v5, v1;
	_ =	sdelay $0x1  }
0x74: {  	v5 =	vadd.s32 v2, v5;
	_ =	sdelay $0x4  }
0x75: {  	[tilespmem:s29], [sflag:$0x2] =	stream.indirect_vreg.gather [hbm4b:s9+s5], $0x80, v5, vm0, $0xb8;
	[tilespmem:$0xC180] =	vst v63  }
0x76: {  	s6 =	simm.s32 @p1 $0x3  }
0x77: {  	[tilespmem:s30], [sflag:$0x2] =	stream.indirect_vreg.gather [hbm4b:s16+s5], $0x80, v5, vm0, $0xb8;
	[tilespmem:$0xC180] =	vst v63  }
0x78: {  	_ =	swait.ge @p1 [sflag:s6], $0x4000  }
0x79: {  	[sflag:s6] =	ssyncset.done @p1 $0x0  }
0x7a: {  	[sflag:s6] =	ssyncadd.s32 @p1 $0xFFFFC000  }
0x7b: {  	_ =	swait.ge [sflag:s12], $0x1000  }
0x7c: {  	[sflag:s12] =	ssyncset.done $0x0  }
0x7d: {  	[sflag:s12] =	ssyncadd.s32 $0xFFFFF000  }
0x7e: {  	_ =	swait.ge [sflag:s12], $0x1000  }
0x7f: {  	[sflag:s12] =	ssyncset.done $0x0  }
0x80: {  	[sflag:s12] =	ssyncadd.s32 $0xFFFFF000  }
0x81: {  	_ =	swait.ge [sflag:s12], $0x1000  }
0x82: {  	[sflag:s12] =	ssyncset.done $0x0  }
0x83: {  	[sflag:s12] =	ssyncadd.s32 $0xFFFFF000  }
0x84: {  	_ =	swait.ge [sflag:s12], $0x1000  }
0x85: {  	[sflag:s12] =	ssyncset.done $0x0  }
0x86: {  	s15 =	sshll.u32 s7, $0x4;
	[sflag:s12] =	ssyncadd.s32 $0xFFFFF000  }
0x87: {  	v6 =	vld [tilespmem:s15+$0x0]  }
0x88: {  	v7 =	vld [tilespmem:s15+$0x80];
	_ =	sdelay $0x4  }
0x89: {  	vm1 =	veq.s32 v6, $0x0;
	vm2 =	vgt.s32 v7, $0x7FE  }
0x8a: {  	vm1 =	vmor vm1, vm2  }
0x8b: {  	v5 =	vsel vm1, $0x1, v3  }
0x8c: {  	v5 =	vor.u32 $0x80000000, v5  }
0x8d: {  	(xrf0) =	vmax.scan.msk.u32 $0xffff, v5;
	_ =	sdelay $0x5  }
0x8e: {  	v5, _, _ =	vpop (xrf0)  }
0x8f: {  	(v2sf) =	vpush v5, $0xF;
	_ =	sdelay $0xe  }
0x90: {  	s25 =	spop (v2sf)  }
0x91: {  	p1 =	slt.u32 s25, $0x80000001  }
.Ltmp0:
0x92: {  	_ = 	snop;
	(pc) =	sbr.rel @p1 .LBB2_7-.Ltmp0, $2  }
0x93: {  	_ =	sdelay $0x2  }
0x94: {  	p0 =	por p2, p2  }
0x95: {  	v5 =	vor.u32 v6, v7  }
0x96: {  	vm1 =	veq.s32 v5, $0x0  }
0x97: {  	vm2 =	vlt.s32 v7, $0x7FF;
	v5 =	vsel vm1, $0x0, v4;
	vm1 =	vgt.s32 v6, $0x0  }
0x98: {  	s17 =	simm.s32 $0x0;
	s18 =	simm.s32 $0x0;
	v6 =	vnsel vm1, $0x0, v5;
	v7 =	vnsel vm2, $0x0, v5  }
.LBB2_4:
0x99: {  	s6 =	sshll.u32 s18, $0x7  }
0x9a: {  	s7 =	simm.s32 $0x0;
	s10 =	sand.u32 $0xC00, s17;
	s19 =	sadd.s32 $0x180, s6  }
0x9b: {  	s20 =	sadd.s32 $0x1180, s6;
	s7 =	sand.u32 $0x60, s7;
	s21 =	sadd.s32 s10, s19  }
0x9c: {  	s11 =	sadd.s32 s10, s20;
	s13 =	sadd.s32 s7, s21  }
0x9d: {  	s14 =	sadd.s32 s7, s11;
	v9 =	vld [tilespmem:s13+$0x0]  }
0x9e: {  	v10 =	vld [tilespmem:s14+$0x0]  }
0x9f: {  	v12 =	vmov s18  }
0xa0: {  	v11 =	vperm.xlane v5, v12  }
0xa1: {  	v8 =	vmov s6  }
0xa2: {  	v9 =	vmul.f32 v9, v11  }
0xa3: {  	v10 =	vmul.f32 v10, v11  }
0xa4: {  	[tilespmem:s13+$0x0] =	vst v9  }
0xa5: {  	s13 =	sor.u32 s7, s10;
	[tilespmem:s14+$0x0] =	vst v10  }
0xa6: {  	v9 =	vld.idx.msk [tilespmem:v8+s13+$0x6180 ss:$0x1], $0xffff;
	_ =	sdelay $0x2  }
0xa7: {  	v10 =	vperm.xlane v6, v12;
	_ =	sdelay $0x1  }
0xa8: {  	v9 =	vmul.f32 v9, v10;
	_ =	sdelay $0x1  }
0xa9: {  	[tilespmem:v8+s13+$0x6180 ss:$0x1] =	vst.idx.msk $0xffff, v9  }
0xaa: {  	v13 =	vld.idx.msk [tilespmem:v8+s13+$0x7180 ss:$0x1], $0xffff;
	_ =	sdelay $0x2  }
0xab: {  	v9 =	vperm.xlane v7, v12;
	_ =	sdelay $0x1  }
0xac: {  	v12 =	vmul.f32 v13, v9  }
0xad: {  	s7 =	sor.u32 $0x10, s7  }
0xae: {  	s21 =	sadd.s32 s7, s21;
	[tilespmem:v8+s13+$0x7180 ss:$0x1] =	vst.idx.msk $0xffff, v12  }
0xaf: {  	s7 =	sadd.s32 s7, s11;
	v12 =	vld [tilespmem:s21+$0x0]  }
0xb0: {  	v13 =	vld [tilespmem:s7+$0x0];
	_ =	sdelay $0x3  }
0xb1: {  	v12 =	vmul.f32 v12, v11  }
0xb2: {  	s22 =	simm.s32 $0x410;
	s23 =	simm.s32 $0x2080;
	v13 =	vmul.f32 v13, v11  }
0xb3: {  	s10 =	sand.u32 $0x70, s22;
	s11 =	sand.u32 $0x2C00, s23;
	[tilespmem:s21+$0x0] =	vst v12  }
0xb4: {  	s10 =	sor.u32 s10, s11;
	[tilespmem:s7+$0x0] =	vst v13  }
0xb5: {  	v12 =	vld.idx.msk [tilespmem:v8+s10+$0x4180 ss:$0x1], $0xffff;
	_ =	sdelay $0x4  }
0xb6: {  	s24 =	simm.s32 $0x610;
	s25 =	simm.s32 $0x3080;
	v12 =	vmul.f32 v12, v10  }
0xb7: {  	s6 =	sand.u32 $0x70, s24;
	s7 =	sand.u32 $0x3C00, s25  }
0xb8: {  	s6 =	sor.u32 s6, s7;
	[tilespmem:v8+s10+$0x4180 ss:$0x1] =	vst.idx.msk $0xffff, v12  }
0xb9: {  	v12 =	vld.idx.msk [tilespmem:v8+s6+$0x4180 ss:$0x1], $0xffff;
	_ =	sdelay $0x3  }
0xba: {  	s21 =	simm.s32 $0x100;
	s7 =	simm.s32 $0x430;
	s10 =	simm.s32 $0x2  }
.LBB2_5:
0xbb: {  	s10 =	sadd.s32 $0x2, s10;
	s11 =	sadd.s32 $0xFFFFFBF0, s7;
	s13 =	sand.u32 $0xC00, s21;
	v12 =	vmul.f32 v12, v9  }
0xbc: {  	s11 =	sand.u32 $0x60, s11;
	s14 =	sadd.s32 s13, s19;
	s22 =	sadd.s32 s13, s20  }
0xbd: {  	s23 =	sadd.s32 s11, s14;
	s24 =	sadd.s32 s11, s22;
	s25 =	sor.u32 $0x10, s11;
	[tilespmem:v8+s6+$0x4180 ss:$0x1] =	vst.idx.msk $0xffff, v12  }
0xbe: {  	p1 =	slt.u32 s10, $0x1E;
	v12 =	vld [tilespmem:s23+$0x0]  }
0xbf: {  	v13 =	vld [tilespmem:s24+$0x0];
	_ =	sdelay $0x3  }
0xc0: {  	v12 =	vmul.f32 v12, v11  }
0xc1: {  	v13 =	vmul.f32 v13, v11  }
0xc2: {  	s6 =	sor.u32 s11, s13;
	[tilespmem:s23+$0x0] =	vst v12  }
0xc3: {  	[tilespmem:s24+$0x0] =	vst v13  }
0xc4: {  	v12 =	vld.idx.msk [tilespmem:v8+s6+$0x6180 ss:$0x1], $0xffff;
	_ =	sdelay $0x5  }
0xc5: {  	v12 =	vmul.f32 v12, v10;
	_ =	sdelay $0x1  }
0xc6: {  	[tilespmem:v8+s6+$0x6180 ss:$0x1] =	vst.idx.msk $0xffff, v12  }
0xc7: {  	v12 =	vld.idx.msk [tilespmem:v8+s6+$0x7180 ss:$0x1], $0xffff;
	_ =	sdelay $0x5  }
0xc8: {  	v12 =	vmul.f32 v12, v9;
	_ =	sdelay $0x1  }
0xc9: {  	s11 =	sadd.s32 s25, s22;
	[tilespmem:v8+s6+$0x7180 ss:$0x1] =	vst.idx.msk $0xffff, v12;
	s6 =	sadd.s32 s25, s14  }
0xca: {  	v12 =	vld [tilespmem:s6+$0x0]  }
0xcb: {  	v13 =	vld [tilespmem:s11+$0x0];
	_ =	sdelay $0x2  }
0xcc: {  	s13 =	sadd.s32 $0x2080, s21  }
0xcd: {  	s13 =	sand.u32 $0x2C00, s13;
	s14 =	sand.u32 $0x70, s7;
	v12 =	vmul.f32 v12, v11  }
0xce: {  	s13 =	sor.u32 s14, s13;
	v13 =	vmul.f32 v13, v11  }
0xcf: {  	[tilespmem:s6+$0x0] =	vst v12  }
0xd0: {  	[tilespmem:s11+$0x0] =	vst v13  }
0xd1: {  	v12 =	vld.idx.msk [tilespmem:v8+s13+$0x4180 ss:$0x1], $0xffff;
	_ =	sdelay $0x3  }
0xd2: {  	s6 =	sadd.s32 $0x200, s7;
	s11 =	sadd.s32 $0x3080, s21  }
0xd3: {  	s6 =	sand.u32 $0x70, s6;
	s11 =	sand.u32 $0x3C00, s11  }
0xd4: {  	s6 =	sor.u32 s6, s11;
	v12 =	vmul.f32 v12, v10;
	_ =	sdelay $0x1  }
0xd5: {  	[tilespmem:v8+s13+$0x4180 ss:$0x1] =	vst.idx.msk $0xffff, v12  }
0xd6: {  	v12 =	vld.idx.msk [tilespmem:v8+s6+$0x4180 ss:$0x1], $0xffff  }
.Ltmp1:
0xd7: {  	(pc) =	sbr.rel @p1 .LBB2_5-.Ltmp1, $2  }
0xd8: {  	_ =	sdelay $0x2  }
0xd9: {  	s7 =	sadd.s32 $0x20, s7;
	s21 =	sadd.s32 $0x100, s21  }
0xda: {  	_ =	sdelay $0x1  }
0xdb: {  	s10 =	sadd.s32 $0xFFFFFBF0, s7;
	s11 =	sand.u32 $0xC00, s21;
	v12 =	vmul.f32 v12, v9  }
0xdc: {  	s10 =	sand.u32 $0x60, s10;
	s13 =	sadd.s32 s11, s19  }
0xdd: {  	s14 =	sadd.s32 s11, s20;
	s19 =	sadd.s32 s10, s13;
	[tilespmem:v8+s6+$0x4180 ss:$0x1] =	vst.idx.msk $0xffff, v12  }
0xde: {  	s25 =	sadd.s32 s10, s14;
	v12 =	vld [tilespmem:s19+$0x0]  }
0xdf: {  	v13 =	vld [tilespmem:s25+$0x0];
	_ =	sdelay $0x3  }
0xe0: {  	v12 =	vmul.f32 v12, v11  }
0xe1: {  	v13 =	vmul.f32 v13, v11  }
0xe2: {  	[tilespmem:s19+$0x0] =	vst v12  }
0xe3: {  	s11 =	sor.u32 s10, s11;
	[tilespmem:s25+$0x0] =	vst v13  }
0xe4: {  	v12 =	vld.idx.msk [tilespmem:v8+s11+$0x6180 ss:$0x1], $0xffff;
	_ =	sdelay $0x4  }
0xe5: {  	v12 =	vmul.f32 v12, v10;
	_ =	sdelay $0x1  }
0xe6: {  	[tilespmem:v8+s11+$0x6180 ss:$0x1] =	vst.idx.msk $0xffff, v12  }
0xe7: {  	v12 =	vld.idx.msk [tilespmem:v8+s11+$0x7180 ss:$0x1], $0xffff;
	_ =	sdelay $0x4  }
0xe8: {  	v12 =	vmul.f32 v12, v9  }
0xe9: {  	s19 =	sor.u32 $0x10, s10  }
0xea: {  	s10 =	sadd.s32 s19, s13;
	[tilespmem:v8+s11+$0x7180 ss:$0x1] =	vst.idx.msk $0xffff, v12  }
0xeb: {  	s6 =	sadd.s32 s19, s14;
	v12 =	vld [tilespmem:s10+$0x0]  }
0xec: {  	v13 =	vld [tilespmem:s6+$0x0];
	_ =	sdelay $0x3  }
0xed: {  	v12 =	vmul.f32 v12, v11  }
0xee: {  	s20 =	sadd.s32 $0x2080, s21;
	v61 =	vmul.f32 v13, v11  }
0xef: {  	s22 =	sand.u32 $0x70, s7;
	s11 =	sand.u32 $0x2C00, s20;
	[tilespmem:s10+$0x0] =	vst v12  }
0xf0: {  	s23 =	sor.u32 s22, s11;
	[tilespmem:s6+$0x0] =	vst v61  }
0xf1: {  	v11 =	vld.idx.msk [tilespmem:v8+s23+$0x4180 ss:$0x1], $0xffff;
	_ =	sdelay $0x4  }
0xf2: {  	s24 =	sadd.s32 $0x200, s7;
	s25 =	sadd.s32 $0x3080, s21;
	v62 =	vmul.f32 v11, v10  }
0xf3: {  	s7 =	sand.u32 $0x3C00, s25;
	s6 =	sand.u32 $0x70, s24  }
0xf4: {  	s6 =	sor.u32 s6, s7;
	[tilespmem:v8+s23+$0x4180 ss:$0x1] =	vst.idx.msk $0xffff, v62  }
0xf5: {  	v10 =	vld.idx.msk [tilespmem:v8+s6+$0x4180 ss:$0x1], $0xffff  }
0xf6: {  	s18 =	sadd.s32 $0x1, s18  }
0xf7: {  	p1 =	sne.s32 s18, $0x8  }
.Ltmp2:
0xf8: {  	_ = 	snop;
	(pc) =	sbr.rel @p1 .LBB2_4-.Ltmp2, $3  }
0xf9: {  	_ = 	snop  }
0xfa: {  	v63 =	vmul.f32 v10, v9;
	_ =	sdelay $0x1  }
0xfb: {  	[tilespmem:v8+s6+$0x4180 ss:$0x1] =	vst.idx.msk $0xffff, v63  }
.LBB2_7:
0xfc: {  	s17 =	simm.s32 $0x0;
	s18 =	simm.s32 $0x1180;
	s19 =	simm.s32 $0x6180  }
.LBB2_8:
0xfd: {  	v7 =	vld [tilespmem:s18+$0x70]  }
0xfe: {  	v8 =	vld [tilespmem:s19+$0x1070]  }
0xff: {  	v9 =	vld [tilespmem:s18+$0x0]  }
0x100: {  	v11 =	vld [tilespmem:s19+$0x1000]  }
0x101: {  	v10 =	vld [tilespmem:s18+$0xFFFFF010]  }
0x102: {  	v12 =	vld [tilespmem:s18+$0x10]  }
0x103: {  	v13 =	vld [tilespmem:s19+$0x10]  }
0x104: {  	v6 =	vld [tilespmem:s18+$0xFFFFF070]  }
0x105: {  	v14 =	vld [tilespmem:s19+$0x1010]  }
0x106: {  	v15 =	vld [tilespmem:s18+$0xFFFFF020]  }
0x107: {  	v16 =	vld [tilespmem:s18+$0x20]  }
0x108: {  	v17 =	vld [tilespmem:s19+$0x20]  }
0x109: {  	v18 =	vld [tilespmem:s19+$0x1020]  }
0x10a: {  	v19 =	vld [tilespmem:s18+$0xFFFFF030]  }
0x10b: {  	v20 =	vld [tilespmem:s18+$0x30]  }
0x10c: {  	v21 =	vld [tilespmem:s19+$0x30]  }
0x10d: {  	v22 =	vld [tilespmem:s19+$0x1030]  }
0x10e: {  	v23 =	vld [tilespmem:s18+$0xFFFFF040]  }
0x10f: {  	v24 =	vld [tilespmem:s18+$0x40]  }
0x110: {  	v60 =	vld [tilespmem:s19+$0x1050]  }
0x111: {  	v7 =	vsub.f32 v7, v8;
	v8 =	vld [tilespmem:s19+$0x40]  }
0x112: {  	v10 =	vsub.f32 v10, v13;
	v13 =	vld [tilespmem:s19+$0x1040]  }
0x113: {  	v61 =	vsub.f32 v20, v22;
	v63 =	vsub.f32 v9, v11;
	v11 =	vld [tilespmem:s19+$0x1060];
	[tilespmem:s19+$0xFFFFF070] =	vst v7  }
0x114: {  	v9 =	vld [tilespmem:s18+$0xFFFFF000];
	v7 =	vsub.f32 v12, v14;
	[tilespmem:s19+$0xFFFFE010] =	vst v10  }
0x115: {  	v12 =	vld [tilespmem:s18+$0xFFFFF050];
	v10 =	vsub.f32 v15, v17;
	[tilespmem:s19+$0xFFFFF030] =	vst v61  }
0x116: {  	v14 =	vld [tilespmem:s19+$0x50];
	[tilespmem:s19+$0xFFFFF010] =	vst v7;
	v7 =	vsub.f32 v16, v18  }
0x117: {  	v15 =	vld [tilespmem:s18+$0x50];
	[tilespmem:s19+$0xFFFFE020] =	vst v10;
	v10 =	vsub.f32 v19, v21  }
0x118: {  	[tilespmem:s19+$0xFFFFF020] =	vst v7;
	v7 =	vld [tilespmem:s18+$0xFFFFF060]  }
0x119: {  	v62 =	vsub.f32 v23, v8;
	[tilespmem:s19+$0xFFFFE030] =	vst v10;
	v10 =	vld [tilespmem:s19+$0x60]  }
0x11a: {  	[tilespmem:s19+$0xFFFFF000] =	vst v63;
	v8 =	vld [tilespmem:s18+$0x60];
	v13 =	vsub.f32 v24, v13  }
0x11b: {  	s20 =	simm.s32 $0x0;
	[tilespmem:s19+$0xFFFFE040] =	vst v62;
	v14 =	vsub.f32 v12, v14;
	v12 =	vld [tilespmem:s19+$0x70]  }
0x11c: {  	v5 =	vld [tilespmem:s19+$0x0];
	s10 =	sadd.s32 $0x400, s18;
	s7 =	smov.u32 s19;
	s21 =	smov.u32 s19;
	[tilespmem:s19+$0xFFFFF040] =	vst v13;
	v13 =	vsub.f32 v15, v60  }
.LBB2_9:
0x11d: {  	v15 =	vld [tilespmem:s10+$0x70];
	[tilespmem:s7+$0xFFFFE050] =	vst v14;
	s21 =	sadd.s32 $0x400, s21  }
0x11e: {  	s20 =	sadd.s32 $0x8, s20;
	v14 =	vld [tilespmem:s21+$0x1070];
	[tilespmem:s7+$0xFFFFF050] =	vst v13;
	v7 =	vsub.f32 v7, v10  }
0x11f: {  	p1 =	slt.u32 s20, $0x18;
	v10 =	vld [tilespmem:s10+$0x0];
	v8 =	vsub.f32 v8, v11  }
0x120: {  	v11 =	vld [tilespmem:s21+$0x0];
	[tilespmem:s7+$0xFFFFE060] =	vst v7;
	v6 =	vsub.f32 v6, v12  }
0x121: {  	v7 =	vld [tilespmem:s21+$0x1000];
	v5 =	vsub.f32 v9, v5;
	[tilespmem:s7+$0xFFFFF060] =	vst v8  }
0x122: {  	v8 =	vld [tilespmem:s10+$0xFFFFF010];
	[tilespmem:s7+$0xFFFFE070] =	vst v6  }
0x123: {  	v9 =	vld [tilespmem:s10+$0x10];
	v12 =	vsub.f32 v15, v14;
	[tilespmem:s7+$0xFFFFE000] =	vst v5;
	s7 =	smov.u32 s21  }
0x124: {  	v13 =	vld [tilespmem:s21+$0x10]  }
0x125: {  	v6 =	vld [tilespmem:s10+$0xFFFFF070];
	[tilespmem:s21+$0xFFFFF070] =	vst v12;
	v5 =	vmov v11  }
0x126: {  	v15 =	vsub.f32 v10, v7;
	v7 =	vld [tilespmem:s21+$0x1010]  }
0x127: {  	v10 =	vld [tilespmem:s10+$0xFFFFF020]  }
0x128: {  	v11 =	vld [tilespmem:s10+$0x20]  }
0x129: {  	v8 =	vsub.f32 v8, v13;
	v12 =	vld [tilespmem:s21+$0x20]  }
0x12a: {  	v13 =	vld [tilespmem:s21+$0x1020]  }
0x12b: {  	[tilespmem:s21+$0xFFFFE010] =	vst v8;
	v7 =	vsub.f32 v9, v7;
	v8 =	vld [tilespmem:s10+$0xFFFFF030]  }
0x12c: {  	v9 =	vld [tilespmem:s10+$0x30]  }
0x12d: {  	[tilespmem:s21+$0xFFFFF010] =	vst v7;
	v7 =	vld [tilespmem:s21+$0x30]  }
0x12e: {  	v10 =	vsub.f32 v10, v12;
	v12 =	vld [tilespmem:s21+$0x1030]  }
0x12f: {  	v11 =	vsub.f32 v11, v13;
	v13 =	vld [tilespmem:s10+$0xFFFFF040]  }
0x130: {  	[tilespmem:s21+$0xFFFFE020] =	vst v10;
	v10 =	vld [tilespmem:s10+$0x40]  }
0x131: {  	[tilespmem:s21+$0xFFFFF020] =	vst v11;
	v11 =	vld [tilespmem:s21+$0x40]  }
0x132: {  	v7 =	vsub.f32 v8, v7;
	v8 =	vld [tilespmem:s21+$0x1040]  }
0x133: {  	v9 =	vsub.f32 v9, v12;
	v12 =	vld [tilespmem:s10+$0xFFFFF050]  }
0x134: {  	[tilespmem:s21+$0xFFFFE030] =	vst v7;
	v16 =	vld [tilespmem:s10+$0x50]  }
0x135: {  	[tilespmem:s21+$0xFFFFF030] =	vst v9;
	v9 =	vld [tilespmem:s21+$0x50]  }
0x136: {  	v11 =	vsub.f32 v13, v11;
	v13 =	vld [tilespmem:s21+$0x1050]  }
0x137: {  	v10 =	vsub.f32 v10, v8;
	v7 =	vld [tilespmem:s10+$0xFFFFF060]  }
.Ltmp3:
0x138: {  	[tilespmem:s21+$0xFFFFE040] =	vst v11;
	v8 =	vld [tilespmem:s10+$0x60];
	(pc) =	sbr.rel @p1 .LBB2_9-.Ltmp3, $4  }
0x139: {  	[tilespmem:s21+$0xFFFFF040] =	vst v10;
	v10 =	vld [tilespmem:s21+$0x60]  }
0x13a: {  	v14 =	vsub.f32 v12, v9;
	v11 =	vld [tilespmem:s21+$0x1060]  }
0x13b: {  	v13 =	vsub.f32 v16, v13;
	v12 =	vld [tilespmem:s21+$0x70]  }
0x13c: {  	v9 =	vld [tilespmem:s10+$0xFFFFF000];
	[tilespmem:s21+$0xFFFFF000] =	vst v15;
	s10 =	sadd.s32 $0x400, s10  }
0x13d: {  	s17 =	sadd.s32 $0x1, s17  }
0x13e: {  	[tilespmem:s7+$0xFFFFE050] =	vst v14;
	v7 =	vsub.f32 v7, v10;
	p1 =	sne.s32 s17, $0x8  }
.Ltmp4:
0x13f: {  	[tilespmem:s7+$0xFFFFF050] =	vst v13;
	v8 =	vsub.f32 v8, v11;
	(pc) =	sbr.rel @p1 .LBB2_8-.Ltmp4, $4  }
0x140: {  	[tilespmem:s7+$0xFFFFE060] =	vst v7;
	v6 =	vsub.f32 v6, v12  }
0x141: {  	v5 =	vsub.f32 v9, v5;
	[tilespmem:s7+$0xFFFFF060] =	vst v8  }
0x142: {  	[tilespmem:s7+$0xFFFFE070] =	vst v6  }
0x143: {  	s18 =	sadd.s32 $0x80, s18;
	s19 =	sadd.s32 $0x80, s19;
	[tilespmem:s7+$0xFFFFE000] =	vst v5  }
0x144: {  	s6 =	sor.u32 s4, s15  }
0x145: {  	s17 =	sshll.u32 s6, $0x8  }
0x146: {  	s6 =	sadd.s32 s3, s17  }
0x147: {  	[hbm4b:s6+s5] =	stream.linear.scatter [tilespmem:s31], [sflag:$0x3], $0x4000, $0x38;
	[tilespmem:$0xC180] =	vst v63  }
0x148: {  	s6 =	simm.s32 @!p0 $0x4  }
0x149: {  	_ =	swait.ge @!p0 [sflag:s6], $0x4000  }
0x14a: {  	[sflag:s6] =	ssyncset.done @!p0 $0x0  }
0x14b: {  	[sflag:s6] =	ssyncadd.s32 @!p0 $0xFFFFC000  }
0x14c: {  	v5 =	vld.msk @p0 [tilespmem:$0x140], $0xff;
	_ =	sdelay $0x4  }
0x14d: {  	v6 =	vshll.u32 @p0 v5, $0x3  }
0x14e: {  	v7 =	vlaneseq.u32 @p0;
	v5 =	vand.u32 @p0 $0x7, v5;
	v6 =	vand.u32 @p0 $0xFFFFFFC0, v6  }
0x14f: {  	v5 =	vor.u32 @p0 v5, v6;
	v6 =	vand.u32 @p0 $0x7, v7;
	v7 =	vshrl.u32 @p0 v7, $0x3  }
0x150: {  	v5 =	vperm.xlane @p0 v5, v6;
	v7 =	vmul.u32 @p0 $0x8, v7;
	_ =	sdelay $0x1  }
0x151: {  	v5 =	vadd.s32 @p0 v7, v5;
	_ =	sdelay $0x3  }
0x152: {  	vm1 =	vmmov @p0 $0xffff;
	s7 =	simm.s32 @p0 $0x180;
	s6 =	simm.s32 @p0 $0x0  }
0x153: {  	[tilespmem:s7], [sflag:$0x1] =	stream.indirect_vreg.gather @p0 [hbm4b:s1+s6], $0x80, v5, vm1, $0xb8;
	[tilespmem:$0xC180] =	vst v63  }
0x154: {  	s7 =	simm.s32 @p0 $0x980  }
0x155: {  	[tilespmem:s7], [sflag:$0x1] =	stream.indirect_vreg.gather @p0 [hbm4b:s8+s6], $0x80, v5, vm1, $0xb8;
	[tilespmem:$0xC180] =	vst v63  }
0x156: {  	v5 =	vld.msk @p0 [tilespmem:$0x150], $0xff;
	_ =	sdelay $0x4  }
0x157: {  	v8 =	vshll.u32 @p0 v5, $0x3  }
0x158: {  	v5 =	vand.u32 @p0 $0x7, v5;
	v8 =	vand.u32 @p0 $0xFFFFFFC0, v8  }
0x159: {  	v5 =	vor.u32 @p0 v5, v8  }
0x15a: {  	v5 =	vperm.xlane @p0 v5, v6;
	_ =	sdelay $0x1  }
0x15b: {  	v5 =	vadd.s32 @p0 v7, v5;
	_ =	sdelay $0x3  }
0x15c: {  	s7 =	simm.s32 @p0 $0x1180  }
0x15d: {  	[tilespmem:s7], [sflag:$0x1] =	stream.indirect_vreg.gather @p0 [hbm4b:s9+s6], $0x80, v5, vm1, $0xb8;
	[tilespmem:$0xC180] =	vst v63  }
0x15e: {  	s7 =	simm.s32 @p0 $0x1980  }
0x15f: {  	[tilespmem:s7], [sflag:$0x1] =	stream.indirect_vreg.gather @p0 [hbm4b:s16+s6], $0x80, v5, vm1, $0xb8;
	[tilespmem:$0xC180] =	vst v63  }
0x160: {  	v5 =	vld.msk @p0 [tilespmem:$0x160], $0xff;
	_ =	sdelay $0x4  }
0x161: {  	v8 =	vshll.u32 @p0 v5, $0x3  }
0x162: {  	v5 =	vand.u32 @p0 $0x7, v5;
	v8 =	vand.u32 @p0 $0xFFFFFFC0, v8  }
0x163: {  	v5 =	vor.u32 @p0 v5, v8  }
0x164: {  	v5 =	vperm.xlane @p0 v5, v6;
	_ =	sdelay $0x1  }
0x165: {  	v5 =	vadd.s32 @p0 v7, v5;
	_ =	sdelay $0x3  }
0x166: {  	s7 =	simm.s32 @p0 $0x6180  }
0x167: {  	[tilespmem:s7], [sflag:$0x1] =	stream.indirect_vreg.gather @p0 [hbm4b:s1+s6], $0x80, v5, vm1, $0xb8;
	[tilespmem:$0xC180] =	vst v63  }
0x168: {  	s7 =	simm.s32 @p0 $0x6980  }
0x169: {  	[tilespmem:s7], [sflag:$0x1] =	stream.indirect_vreg.gather @p0 [hbm4b:s8+s6], $0x80, v5, vm1, $0xb8;
	[tilespmem:$0xC180] =	vst v63  }
0x16a: {  	v5 =	vld.msk @p0 [tilespmem:$0x170], $0xff;
	_ =	sdelay $0x4  }
0x16b: {  	v8 =	vshll.u32 @p0 v5, $0x3  }
0x16c: {  	v5 =	vand.u32 @p0 $0x7, v5;
	v8 =	vand.u32 @p0 $0xFFFFFFC0, v8  }
0x16d: {  	v5 =	vor.u32 @p0 v5, v8  }
0x16e: {  	v5 =	vperm.xlane @p0 v5, v6;
	_ =	sdelay $0x1  }
0x16f: {  	v5 =	vadd.s32 @p0 v7, v5;
	_ =	sdelay $0x3  }
0x170: {  	s7 =	simm.s32 @p0 $0x7180  }
0x171: {  	[tilespmem:s7], [sflag:$0x1] =	stream.indirect_vreg.gather @p0 [hbm4b:s9+s6], $0x80, v5, vm1, $0xb8;
	[tilespmem:$0xC180] =	vst v63  }
0x172: {  	s7 =	simm.s32 @p0 $0x7980  }
0x173: {  	[tilespmem:s7], [sflag:$0x1] =	stream.indirect_vreg.gather @p0 [hbm4b:s16+s6], $0x80, v5, vm1, $0xb8;
	[tilespmem:$0xC180] =	vst v63  }
0x174: {  	_ =	swait.ge [sflag:s2], $0x1000  }
0x175: {  	[sflag:s2] =	ssyncset.done $0x0  }
0x176: {  	[sflag:s2] =	ssyncadd.s32 $0xFFFFF000  }
0x177: {  	_ =	swait.ge [sflag:s2], $0x1000  }
0x178: {  	[sflag:s2] =	ssyncset.done $0x0  }
0x179: {  	[sflag:s2] =	ssyncadd.s32 $0xFFFFF000  }
0x17a: {  	_ =	swait.ge [sflag:s2], $0x1000  }
0x17b: {  	[sflag:s2] =	ssyncset.done $0x0  }
0x17c: {  	[sflag:s2] =	ssyncadd.s32 $0xFFFFF000  }
0x17d: {  	_ =	swait.ge [sflag:s2], $0x1000  }
0x17e: {  	[sflag:s2] =	ssyncset.done $0x0  }
0x17f: {  	[sflag:s2] =	ssyncadd.s32 $0xFFFFF000  }
0x180: {  	v6 =	vld [tilespmem:s15+$0x0]  }
0x181: {  	v7 =	vld [tilespmem:s15+$0x80];
	_ =	sdelay $0x4  }
0x182: {  	vm1 =	veq.s32 v6, $0x0;
	vm2 =	vgt.s32 v7, $0x7FE  }
0x183: {  	vm1 =	vmor vm1, vm2  }
0x184: {  	v5 =	vsel vm1, $0x1, v3  }
0x185: {  	v5 =	vor.u32 $0x80000000, v5  }
0x186: {  	(xrf0) =	vmax.scan.msk.u32 $0xffff, v5;
	_ =	sdelay $0x5  }
0x187: {  	v5, _, _ =	vpop (xrf0)  }
0x188: {  	(v2sf) =	vpush v5, $0xF;
	_ =	sdelay $0xe  }
0x189: {  	s25 =	spop (v2sf)  }
0x18a: {  	p1 =	slt.u32 s25, $0x80000001  }
.Ltmp5:
0x18b: {  	_ = 	snop;
	(pc) =	sbr.rel @p1 .LBB2_16-.Ltmp5, $1  }
0x18c: {  	_ =	sdelay $0x3  }
0x18d: {  	v5 =	vor.u32 v6, v7  }
0x18e: {  	vm1 =	veq.s32 v5, $0x0  }
0x18f: {  	vm2 =	vlt.s32 v7, $0x7FF;
	v5 =	vsel vm1, $0x0, v4;
	vm1 =	vgt.s32 v6, $0x0  }
0x190: {  	s15 =	simm.s32 $0x0;
	s18 =	simm.s32 $0x0;
	v6 =	vnsel vm1, $0x0, v5;
	v7 =	vnsel vm2, $0x0, v5  }
.LBB2_13:
0x191: {  	s6 =	sshll.u32 s18, $0x7  }
0x192: {  	s7 =	simm.s32 $0x0;
	s10 =	sand.u32 $0xC00, s15;
	s19 =	sadd.s32 $0x2180, s6  }
0x193: {  	s20 =	sadd.s32 $0x3180, s6;
	s7 =	sand.u32 $0x60, s7;
	s11 =	sadd.s32 s10, s19  }
0x194: {  	v8 =	vmov s18;
	s13 =	sadd.s32 s10, s20;
	s14 =	sadd.s32 s7, s11  }
0x195: {  	v8 =	vadd.s32 $0x8, v8;
	s21 =	sadd.s32 s7, s13;
	v9 =	vld [tilespmem:s14+$0x0]  }
0x196: {  	v12 =	vbroadcast v8, $0x0;
	v10 =	vld [tilespmem:s21+$0x0];
	_ =	sdelay $0x1  }
0x197: {  	v11 =	vperm.xlane v5, v12  }
0x198: {  	v8 =	vmov s6  }
0x199: {  	v9 =	vmul.f32 v9, v11  }
0x19a: {  	v10 =	vmul.f32 v10, v11  }
0x19b: {  	[tilespmem:s14+$0x0] =	vst v9  }
0x19c: {  	s14 =	sor.u32 s7, s10;
	[tilespmem:s21+$0x0] =	vst v10  }
0x19d: {  	v9 =	vld.idx.msk [tilespmem:v8+s14+$0xA180 ss:$0x1], $0xffff;
	_ =	sdelay $0x2  }
0x19e: {  	v10 =	vperm.xlane v6, v12;
	_ =	sdelay $0x1  }
0x19f: {  	v9 =	vmul.f32 v9, v10;
	_ =	sdelay $0x1  }
0x1a0: {  	[tilespmem:v8+s14+$0xA180 ss:$0x1] =	vst.idx.msk $0xffff, v9  }
0x1a1: {  	v13 =	vld.idx.msk [tilespmem:v8+s14+$0xB180 ss:$0x1], $0xffff;
	_ =	sdelay $0x2  }
0x1a2: {  	v9 =	vperm.xlane v7, v12;
	_ =	sdelay $0x1  }
0x1a3: {  	v12 =	vmul.f32 v13, v9  }
0x1a4: {  	s7 =	sor.u32 $0x10, s7  }
0x1a5: {  	s21 =	sadd.s32 s7, s11;
	[tilespmem:v8+s14+$0xB180 ss:$0x1] =	vst.idx.msk $0xffff, v12  }
0x1a6: {  	s7 =	sadd.s32 s7, s13;
	v12 =	vld [tilespmem:s21+$0x0]  }
0x1a7: {  	v13 =	vld [tilespmem:s7+$0x0];
	_ =	sdelay $0x3  }
0x1a8: {  	v12 =	vmul.f32 v12, v11  }
0x1a9: {  	s22 =	simm.s32 $0x410;
	s23 =	simm.s32 $0x2080;
	v13 =	vmul.f32 v13, v11  }
0x1aa: {  	s10 =	sand.u32 $0x70, s22;
	s11 =	sand.u32 $0x2C00, s23;
	[tilespmem:s21+$0x0] =	vst v12  }
0x1ab: {  	s10 =	sor.u32 s10, s11;
	[tilespmem:s7+$0x0] =	vst v13  }
0x1ac: {  	v12 =	vld.idx.msk [tilespmem:v8+s10+$0x8180 ss:$0x1], $0xffff;
	_ =	sdelay $0x4  }
0x1ad: {  	s24 =	simm.s32 $0x610;
	s25 =	simm.s32 $0x3080;
	v12 =	vmul.f32 v12, v10  }
0x1ae: {  	s6 =	sand.u32 $0x70, s24;
	s7 =	sand.u32 $0x3C00, s25  }
0x1af: {  	s6 =	sor.u32 s6, s7;
	[tilespmem:v8+s10+$0x8180 ss:$0x1] =	vst.idx.msk $0xffff, v12  }
0x1b0: {  	v12 =	vld.idx.msk [tilespmem:v8+s6+$0x8180 ss:$0x1], $0xffff;
	_ =	sdelay $0x3  }
0x1b1: {  	s21 =	simm.s32 $0x100;
	s7 =	simm.s32 $0x430;
	s10 =	simm.s32 $0x2  }
.LBB2_14:
0x1b2: {  	s10 =	sadd.s32 $0x2, s10;
	s11 =	sadd.s32 $0xFFFFFBF0, s7;
	s13 =	sand.u32 $0xC00, s21;
	v12 =	vmul.f32 v12, v9  }
0x1b3: {  	s11 =	sand.u32 $0x60, s11;
	s14 =	sadd.s32 s13, s19;
	s22 =	sadd.s32 s13, s20  }
0x1b4: {  	s23 =	sadd.s32 s11, s14;
	s24 =	sadd.s32 s11, s22;
	s25 =	sor.u32 $0x10, s11;
	[tilespmem:v8+s6+$0x8180 ss:$0x1] =	vst.idx.msk $0xffff, v12  }
0x1b5: {  	p1 =	slt.u32 s10, $0x1E;
	v12 =	vld [tilespmem:s23+$0x0]  }
0x1b6: {  	v13 =	vld [tilespmem:s24+$0x0];
	_ =	sdelay $0x3  }
0x1b7: {  	v12 =	vmul.f32 v12, v11  }
0x1b8: {  	v13 =	vmul.f32 v13, v11  }
0x1b9: {  	s6 =	sor.u32 s11, s13;
	[tilespmem:s23+$0x0] =	vst v12  }
0x1ba: {  	[tilespmem:s24+$0x0] =	vst v13  }
0x1bb: {  	v12 =	vld.idx.msk [tilespmem:v8+s6+$0xA180 ss:$0x1], $0xffff;
	_ =	sdelay $0x5  }
0x1bc: {  	v12 =	vmul.f32 v12, v10;
	_ =	sdelay $0x1  }
0x1bd: {  	[tilespmem:v8+s6+$0xA180 ss:$0x1] =	vst.idx.msk $0xffff, v12  }
0x1be: {  	v12 =	vld.idx.msk [tilespmem:v8+s6+$0xB180 ss:$0x1], $0xffff;
	_ =	sdelay $0x5  }
0x1bf: {  	v12 =	vmul.f32 v12, v9;
	_ =	sdelay $0x1  }
0x1c0: {  	s11 =	sadd.s32 s25, s22;
	[tilespmem:v8+s6+$0xB180 ss:$0x1] =	vst.idx.msk $0xffff, v12;
	s6 =	sadd.s32 s25, s14  }
0x1c1: {  	v12 =	vld [tilespmem:s6+$0x0]  }
0x1c2: {  	v13 =	vld [tilespmem:s11+$0x0];
	_ =	sdelay $0x2  }
0x1c3: {  	s13 =	sadd.s32 $0x2080, s21  }
0x1c4: {  	s13 =	sand.u32 $0x2C00, s13;
	s14 =	sand.u32 $0x70, s7;
	v12 =	vmul.f32 v12, v11  }
0x1c5: {  	s13 =	sor.u32 s14, s13;
	v13 =	vmul.f32 v13, v11  }
0x1c6: {  	[tilespmem:s6+$0x0] =	vst v12  }
0x1c7: {  	[tilespmem:s11+$0x0] =	vst v13  }
0x1c8: {  	v12 =	vld.idx.msk [tilespmem:v8+s13+$0x8180 ss:$0x1], $0xffff;
	_ =	sdelay $0x3  }
0x1c9: {  	s6 =	sadd.s32 $0x200, s7;
	s11 =	sadd.s32 $0x3080, s21  }
0x1ca: {  	s6 =	sand.u32 $0x70, s6;
	s11 =	sand.u32 $0x3C00, s11  }
0x1cb: {  	s6 =	sor.u32 s6, s11;
	v12 =	vmul.f32 v12, v10;
	_ =	sdelay $0x1  }
0x1cc: {  	[tilespmem:v8+s13+$0x8180 ss:$0x1] =	vst.idx.msk $0xffff, v12  }
0x1cd: {  	v12 =	vld.idx.msk [tilespmem:v8+s6+$0x8180 ss:$0x1], $0xffff  }
.Ltmp6:
0x1ce: {  	(pc) =	sbr.rel @p1 .LBB2_14-.Ltmp6, $2  }
0x1cf: {  	_ =	sdelay $0x2  }
0x1d0: {  	s7 =	sadd.s32 $0x20, s7;
	s21 =	sadd.s32 $0x100, s21  }
0x1d1: {  	_ =	sdelay $0x1  }
0x1d2: {  	s10 =	sadd.s32 $0xFFFFFBF0, s7;
	s11 =	sand.u32 $0xC00, s21;
	v12 =	vmul.f32 v12, v9  }
0x1d3: {  	s10 =	sand.u32 $0x60, s10;
	s13 =	sadd.s32 s11, s19  }
0x1d4: {  	s14 =	sadd.s32 s11, s20;
	s19 =	sadd.s32 s10, s13;
	[tilespmem:v8+s6+$0x8180 ss:$0x1] =	vst.idx.msk $0xffff, v12  }
0x1d5: {  	s25 =	sadd.s32 s10, s14;
	v12 =	vld [tilespmem:s19+$0x0]  }
0x1d6: {  	v13 =	vld [tilespmem:s25+$0x0];
	_ =	sdelay $0x3  }
0x1d7: {  	v12 =	vmul.f32 v12, v11  }
0x1d8: {  	v13 =	vmul.f32 v13, v11  }
0x1d9: {  	[tilespmem:s19+$0x0] =	vst v12  }
0x1da: {  	s11 =	sor.u32 s10, s11;
	[tilespmem:s25+$0x0] =	vst v13  }
0x1db: {  	v12 =	vld.idx.msk [tilespmem:v8+s11+$0xA180 ss:$0x1], $0xffff;
	_ =	sdelay $0x4  }
0x1dc: {  	v12 =	vmul.f32 v12, v10;
	_ =	sdelay $0x1  }
0x1dd: {  	[tilespmem:v8+s11+$0xA180 ss:$0x1] =	vst.idx.msk $0xffff, v12  }
0x1de: {  	v12 =	vld.idx.msk [tilespmem:v8+s11+$0xB180 ss:$0x1], $0xffff;
	_ =	sdelay $0x4  }
0x1df: {  	v12 =	vmul.f32 v12, v9  }
0x1e0: {  	s19 =	sor.u32 $0x10, s10  }
0x1e1: {  	s10 =	sadd.s32 s19, s13;
	[tilespmem:v8+s11+$0xB180 ss:$0x1] =	vst.idx.msk $0xffff, v12  }
0x1e2: {  	s6 =	sadd.s32 s19, s14;
	v12 =	vld [tilespmem:s10+$0x0]  }
0x1e3: {  	v13 =	vld [tilespmem:s6+$0x0];
	_ =	sdelay $0x3  }
0x1e4: {  	v12 =	vmul.f32 v12, v11  }
0x1e5: {  	s20 =	sadd.s32 $0x2080, s21;
	v61 =	vmul.f32 v13, v11  }
0x1e6: {  	s22 =	sand.u32 $0x70, s7;
	s11 =	sand.u32 $0x2C00, s20;
	[tilespmem:s10+$0x0] =	vst v12  }
0x1e7: {  	s23 =	sor.u32 s22, s11;
	[tilespmem:s6+$0x0] =	vst v61  }
0x1e8: {  	v11 =	vld.idx.msk [tilespmem:v8+s23+$0x8180 ss:$0x1], $0xffff;
	_ =	sdelay $0x4  }
0x1e9: {  	s24 =	sadd.s32 $0x200, s7;
	s25 =	sadd.s32 $0x3080, s21;
	v62 =	vmul.f32 v11, v10  }
0x1ea: {  	s7 =	sand.u32 $0x3C00, s25;
	s6 =	sand.u32 $0x70, s24  }
0x1eb: {  	s6 =	sor.u32 s6, s7;
	[tilespmem:v8+s23+$0x8180 ss:$0x1] =	vst.idx.msk $0xffff, v62  }
0x1ec: {  	v10 =	vld.idx.msk [tilespmem:v8+s6+$0x8180 ss:$0x1], $0xffff  }
0x1ed: {  	s18 =	sadd.s32 $0x1, s18  }
0x1ee: {  	p1 =	sne.s32 s18, $0x8  }
.Ltmp7:
0x1ef: {  	_ = 	snop;
	(pc) =	sbr.rel @p1 .LBB2_13-.Ltmp7, $3  }
0x1f0: {  	_ = 	snop  }
0x1f1: {  	v63 =	vmul.f32 v10, v9;
	_ =	sdelay $0x1  }
0x1f2: {  	[tilespmem:v8+s6+$0x8180 ss:$0x1] =	vst.idx.msk $0xffff, v63  }
.LBB2_16:
0x1f3: {  	s15 =	simm.s32 $0x0;
	s18 =	simm.s32 $0x0  }
.LBB2_17:
0x1f4: {  	s19 =	sshra.s32 s15, $0x2  }
0x1f5: {  	v5 =	vld [tilespmem:s19+$0x31F0]  }
0x1f6: {  	v6 =	vld [tilespmem:s19+$0xB1F0]  }
0x1f7: {  	v7 =	vld [tilespmem:s19+$0x2180]  }
0x1f8: {  	v8 =	vld [tilespmem:s19+$0x3180]  }
0x1f9: {  	v9 =	vld [tilespmem:s19+$0xA180]  }
0x1fa: {  	v10 =	vld [tilespmem:s19+$0xB180]  }
0x1fb: {  	v11 =	vld [tilespmem:s19+$0x2190]  }
0x1fc: {  	v12 =	vld [tilespmem:s19+$0x3190]  }
0x1fd: {  	v13 =	vld [tilespmem:s19+$0xA190]  }
0x1fe: {  	v14 =	vld [tilespmem:s19+$0xB190]  }
0x1ff: {  	v15 =	vld [tilespmem:s19+$0x21A0]  }
0x200: {  	v16 =	vld [tilespmem:s19+$0x31A0]  }
0x201: {  	v17 =	vld [tilespmem:s19+$0xA1A0]  }
0x202: {  	v18 =	vld [tilespmem:s19+$0xB1A0]  }
0x203: {  	v20 =	vld [tilespmem:s19+$0x31B0]  }
0x204: {  	v22 =	vld [tilespmem:s19+$0xB1B0]  }
0x205: {  	v19 =	vld [tilespmem:s19+$0x21B0]  }
0x206: {  	v21 =	vld [tilespmem:s19+$0xA1B0]  }
0x207: {  	v60 =	vld [tilespmem:s19+$0x31D0];
	v5 =	vsub.f32 v5, v6  }
0x208: {  	v61 =	vld [tilespmem:s19+$0xA1D0];
	v7 =	vsub.f32 v7, v9  }
0x209: {  	v9 =	vld [tilespmem:s19+$0x31C0];
	v63 =	vsub.f32 v20, v22;
	[tilespmem:s19+$0x91F0] =	vst v5  }
0x20a: {  	v5 =	vsub.f32 v8, v10;
	[tilespmem:s19+$0x8180] =	vst v7;
	v10 =	vld [tilespmem:s19+$0xB1C0]  }
0x20b: {  	v6 =	vld [tilespmem:s19+$0x21C0];
	v7 =	vsub.f32 v11, v13;
	[tilespmem:s19+$0x91B0] =	vst v63  }
0x20c: {  	v8 =	vld [tilespmem:s19+$0xA1C0];
	[tilespmem:s19+$0x9180] =	vst v5;
	v5 =	vsub.f32 v12, v14  }
0x20d: {  	v11 =	vld [tilespmem:s19+$0x21D0];
	[tilespmem:s19+$0x8190] =	vst v7;
	v7 =	vsub.f32 v15, v17  }
0x20e: {  	v62 =	vld [tilespmem:s19+$0xB1D0];
	[tilespmem:s19+$0x9190] =	vst v5;
	v5 =	vsub.f32 v16, v18  }
0x20f: {  	[tilespmem:s19+$0x81A0] =	vst v7;
	v7 =	vsub.f32 v19, v21;
	v10 =	vsub.f32 v9, v10;
	v9 =	vld [tilespmem:s19+$0xB1E0]  }
0x210: {  	[tilespmem:s19+$0x91A0] =	vst v5;
	v5 =	vld [tilespmem:s19+$0x21E0]  }
0x211: {  	[tilespmem:s19+$0x81B0] =	vst v7;
	v7 =	vsub.f32 v6, v8;
	v8 =	vld [tilespmem:s19+$0xA1E0]  }
0x212: {  	v11 =	vsub.f32 v11, v61;
	v6 =	vld [tilespmem:s19+$0x31E0];
	[tilespmem:s19+$0x91C0] =	vst v10  }
0x213: {  	s7 =	simm.s32 $0x0;
	s10 =	sadd.s32 $0x1000, s15;
	v10 =	vsub.f32 v60, v62;
	[tilespmem:s19+$0x81C0] =	vst v7;
	v7 =	vld [tilespmem:s19+$0x21F0]  }
.LBB2_18:
0x214: {  	s6 =	sshra.s32 s10, $0x2;
	[tilespmem:s19+$0x81D0] =	vst v11;
	v11 =	vld [tilespmem:s19+$0xA1F0]  }
0x215: {  	s7 =	sadd.s32 $0x8, s7;
	v12 =	vld [tilespmem:s6+$0x31F0];
	[tilespmem:s19+$0x91D0] =	vst v10  }
0x216: {  	p1 =	slt.u32 s7, $0x18;
	v10 =	vld [tilespmem:s6+$0xB1F0];
	v5 =	vsub.f32 v5, v8  }
0x217: {  	v8 =	vld [tilespmem:s6+$0x2180];
	v6 =	vsub.f32 v6, v9  }
0x218: {  	v9 =	vld [tilespmem:s6+$0x3180];
	[tilespmem:s19+$0x81E0] =	vst v5  }
0x219: {  	v5 =	vld [tilespmem:s6+$0xA180];
	[tilespmem:s19+$0x91E0] =	vst v6;
	v6 =	vsub.f32 v7, v11  }
0x21a: {  	v7 =	vld [tilespmem:s6+$0xB180]  }
0x21b: {  	v11 =	vld [tilespmem:s6+$0x2190];
	v10 =	vsub.f32 v12, v10;
	[tilespmem:s19+$0x81F0] =	vst v6;
	s19 =	smov.u32 s6  }
0x21c: {  	v6 =	vld [tilespmem:s19+$0x3190]  }
0x21d: {  	v12 =	vld [tilespmem:s19+$0xA190];
	[tilespmem:s19+$0x91F0] =	vst v10  }
0x21e: {  	v5 =	vsub.f32 v8, v5;
	v8 =	vld [tilespmem:s19+$0xB190]  }
0x21f: {  	v7 =	vsub.f32 v9, v7;
	v9 =	vld [tilespmem:s19+$0x21A0]  }
0x220: {  	[tilespmem:s19+$0x8180] =	vst v5;
	v5 =	vld [tilespmem:s19+$0x31A0]  }
0x221: {  	[tilespmem:s19+$0x9180] =	vst v7;
	v7 =	vld [tilespmem:s19+$0xA1A0]  }
0x222: {  	v10 =	vsub.f32 v11, v12;
	v11 =	vld [tilespmem:s19+$0xB1A0]  }
0x223: {  	v6 =	vsub.f32 v6, v8;
	v8 =	vld [tilespmem:s19+$0x21B0]  }
0x224: {  	[tilespmem:s19+$0x8190] =	vst v10;
	v10 =	vld [tilespmem:s19+$0x31B0]  }
0x225: {  	[tilespmem:s19+$0x9190] =	vst v6;
	v6 =	vld [tilespmem:s19+$0xA1B0]  }
0x226: {  	v7 =	vsub.f32 v9, v7;
	v9 =	vld [tilespmem:s19+$0xB1B0]  }
0x227: {  	v5 =	vsub.f32 v5, v11;
	v11 =	vld [tilespmem:s19+$0x21C0]  }
0x228: {  	[tilespmem:s19+$0x81A0] =	vst v7;
	v7 =	vld [tilespmem:s19+$0x31C0]  }
0x229: {  	[tilespmem:s19+$0x91A0] =	vst v5;
	v5 =	vld [tilespmem:s19+$0xA1C0]  }
0x22a: {  	v6 =	vsub.f32 v8, v6;
	v8 =	vld [tilespmem:s19+$0xB1C0]  }
0x22b: {  	v9 =	vsub.f32 v10, v9;
	v10 =	vld [tilespmem:s19+$0x21D0]  }
0x22c: {  	[tilespmem:s19+$0x81B0] =	vst v6;
	v12 =	vld [tilespmem:s19+$0x31D0]  }
0x22d: {  	[tilespmem:s19+$0x91B0] =	vst v9;
	v9 =	vld [tilespmem:s19+$0xA1D0]  }
0x22e: {  	v6 =	vsub.f32 v11, v5;
	v13 =	vld [tilespmem:s19+$0xB1D0]  }
.Ltmp8:
0x22f: {  	v7 =	vsub.f32 v7, v8;
	v5 =	vld [tilespmem:s19+$0x21E0];
	(pc) =	sbr.rel @p1 .LBB2_18-.Ltmp8, $4  }
0x230: {  	[tilespmem:s19+$0x81C0] =	vst v6;
	v6 =	vld [tilespmem:s19+$0x31E0]  }
0x231: {  	[tilespmem:s19+$0x91C0] =	vst v7;
	v8 =	vld [tilespmem:s19+$0xA1E0]  }
0x232: {  	v11 =	vsub.f32 v10, v9;
	v9 =	vld [tilespmem:s19+$0xB1E0]  }
0x233: {  	s10 =	sadd.s32 $0x1000, s10;
	v10 =	vsub.f32 v12, v13;
	v7 =	vld [tilespmem:s19+$0x21F0]  }
0x234: {  	v12 =	vld [tilespmem:s19+$0xA1F0]  }
0x235: {  	s18 =	sadd.s32 $0x1, s18  }
0x236: {  	p1 =	sne.s32 s18, $0x8  }
.Ltmp9:
0x237: {  	[tilespmem:s19+$0x81D0] =	vst v11;
	v5 =	vsub.f32 v5, v8;
	(pc) =	sbr.rel @p1 .LBB2_17-.Ltmp9, $4  }
0x238: {  	[tilespmem:s19+$0x91D0] =	vst v10;
	v6 =	vsub.f32 v6, v9  }
0x239: {  	[tilespmem:s19+$0x81E0] =	vst v5;
	v5 =	vsub.f32 v7, v12  }
0x23a: {  	[tilespmem:s19+$0x91E0] =	vst v6  }
0x23b: {  	s15 =	sadd.s32 $0x200, s15;
	[tilespmem:s19+$0x81F0] =	vst v5  }
.Ltmp10:
0x23c: {  	(pc) =	sbr.rel @p0 .LBB2_2-.Ltmp10, $4  }
0x23d: {  	_ = 	snop  }
0x23e: {  	s6 =	sadd.s32 s17, s3;
	s7 =	simm.s32 $0x1  }
0x23f: {  	p1 =	por $0x1, $0x1;
	p2 =	por $0x0, $0x0;
	s6 =	sadd.s32 $0x800, s6  }
0x240: {  	[hbm4b:s6+s5] =	stream.linear.scatter [tilespmem:s0], [sflag:$0x4], $0x4000, $0x38;
	[tilespmem:$0xC180] =	vst v63  }
0x241: {  	s6 =	simm.s32 $0x3  }
0x242: {  	_ =	swait.ge [sflag:s6], $0x4000  }
0x243: {  	[sflag:s6] =	ssyncset.done $0x0  }
0x244: {  	s7 =	simm.s32 $0x4;
	[sflag:s6] =	ssyncadd.s32 $0xFFFFC000  }
0x245: {  	_ =	swait.ge [sflag:s7], $0x4000  }
0x246: {  	s10 =	rddreg [dreg:$0x7]  }
0x247: {  	s25 =	rddreg [dreg:$0x6];
	s10 =	sadd.s32 $0x1, s10  }
0x248: {  	p0 =	sne.s32 s10, s25  }
.Ltmp11:
0x249: {  	_ = 	snop;
	(pc) =	sbr.rel @p0 .LBB2_1-.Ltmp11, $3  }
0x24a: {  	_ =	sdelay $0x1  }
0x24b: {  	[sflag:s7] =	ssyncset.done $0x0  }
0x24c: {  	[sflag:s7] =	ssyncadd.s32 $0xFFFFC000  }
0x24d: {  	_ =	sfence.sel $0x180000  }
0x24e: {  	[bflag:$0x0] =	sbarrier.arrive $0xFFFF  }
0x24f: {  	_ =	strace $0x90000047  }
0x250: {  	s0 =	stileid.u32;
	[bflag:$0x2] =	sbarrier.arrive $0xFFFF  }
0x251: {  	p0 =	sne.s32 s0, $0x0;
	s0 =	rddreg [dreg:$0x3]  }
0x252: {  	s0 =	sadd.s32 @!p0 $0x100000, s0  }
0x253: {  	[sflag:s0] =	ssyncadd.tile.s32 @!p0 $0x1;
	_ =	shalt  }
.Lfunc_end2:
_tile_overlayer_lowered:
.L_overlay_start_2:
0x254: {  	(tag) =	ssettag $0x2  }
0x255: {  	s0 =	rddreg [dreg:$0x0];
	s2 =	stileid.u32  }
0x256: {  	s1 =	rddreg [dreg:$0x1];
	p0 =	sne.s32 s2, $0x0  }
0x257: {  	s3 =	rddreg [dreg:$0x2];
	[bflag:$0x3] =	sbarrier.arrive $0xFFFF;
	s2 =	simm.s32 @!p0 $0x1C05  }
0x258: {  	[timem:s3], [sflag:s2] =	dma.local @!p0 [hbm:s0], s1  }
0x259: {  	s0 =	simm.s32 @!p0 $0x5  }
0x25a: {  	_ =	swait.ge @!p0 [sflag:s0], s1  }
0x25b: {  	s1 =	ssub.s32 @!p0 $0x0, s1;
	[sflag:s0] =	ssyncset.done @!p0 $0x0  }
0x25c: {  	[sflag:s0] =	ssyncadd.s32 @!p0 s1  }
0x25d: {  	[bflag:$0x3] =	sbarrier.arrive $0xFFFF  }
0x25e: {  	_ =	shalt  }

</sc_bundles>
